<compile_context>
chip_gen: v7x
topology: tpu7x:2x2x1
jax: 0.10.2.dev20260603
libtpu: 0.0.44.dev20260713+nightly
codegen_flags: <defaults>
</compile_context>

<pallas_src>
import dataclasses
import functools

import jax
import jax.numpy as jnp
from jax import lax
from jax.experimental import pallas as pl
from jax.experimental.pallas import tpu as pltpu
from jax.experimental.pallas import tpu_sc as plsc

NC = 2
NS = 16
L = 16
NW = NC * NS

_MAGIC = 8388608.0

_MESH = plsc.VectorSubcoreMesh(core_axis_name="c", subcore_axis_name="s")


def _compiler_params():
    cp = pltpu.CompilerParams()
    if "needs_layout_passes" in pltpu.CompilerParams.__dataclass_fields__:
        cp = dataclasses.replace(cp, needs_layout_passes=False)
    return cp


def _build_replica_kernel(g, d):
    gg = g * g
    rep_rows = 2 * gg
    vpr = d // L

    @functools.partial(
        pl.kernel,
        mesh=_MESH,
        compiler_params=_compiler_params(),
        out_type=jax.ShapeDtypeStruct((2 * rep_rows, d), jnp.float32),
        scratch_types=[pltpu.VMEM((g, d), jnp.float32),
                       pltpu.SemaphoreType.DMA,
                       pltpu.SemaphoreType.DMA],
    )
    def rep_kernel(htab_hbm, wtab_hbm, rep_hbm, tab_v, sem0, sem1):
        sid = lax.axis_index("c")
        s = lax.axis_index("s")
        wid = s * NC + sid

        @pl.when(wid >= NS)
        def _():
            pltpu.sync_copy(wtab_hbm, tab_v)
            w0 = gg + 2 * g * (wid - NS)
            @pl.loop(0, 2)
            def _(cpy):
                c0 = pltpu.async_copy(
                    tab_v, rep_hbm.at[pl.ds(cpy * rep_rows + w0, g)], sem0)
                c1 = pltpu.async_copy(
                    tab_v, rep_hbm.at[pl.ds(cpy * rep_rows + w0 + g, g)], sem1)
                c0.wait()
                c1.wait()

        @pl.when(wid < NS)
        def _():
            @pl.loop(0, 2)
            def _(r):
                hrow = 2 * wid + r
                pltpu.sync_copy(htab_hbm.at[pl.ds(hrow, 1)],
                                tab_v.at[pl.ds(0, 1)])
                src = tab_v.at[0]
                @pl.loop(1, g)
                def _(i):
                    dstrow = tab_v.at[i]
                    @pl.loop(0, vpr)
                    def _(c):
                        dstrow[pl.ds(c * L, L)] = src[pl.ds(c * L, L)]
                @pl.loop(0, 2)
                def _(cpy):
                    pltpu.sync_copy(
                        tab_v,
                        rep_hbm.at[pl.ds(cpy * rep_rows + 2 * g * wid + r * g,
                                         g)])

    return rep_kernel


def _build_gather_kernel(n_boxes, g, d):
    rows_total = 2 * n_boxes
    rows_per_w = rows_total // NW
    boxes_per_w = n_boxes // NW
    CH = 128
    NBUF = 3
    n_chunks = rows_per_w // CH
    n_vec = rows_per_w // L
    gg = g * g
    rep_rows = 2 * gg

    @functools.partial(
        pl.kernel,
        mesh=_MESH,
        compiler_params=_compiler_params(),
        out_type=jax.ShapeDtypeStruct((rows_total, d), jnp.float32),
        scratch_types=(
            [pltpu.VMEM((boxes_per_w // 2, 4), jnp.float32),
             pltpu.VMEM((rows_per_w,), jnp.int32),
             pltpu.SemaphoreType.DMA]
            + [pltpu.VMEM((CH, d), jnp.float32) for _ in range(NBUF)]
            + [pltpu.SemaphoreType.DMA for _ in range(2 * NBUF)]
        ),
    )
    def gather_kernel(boxes_hbm, rep_hbm, out_hbm,
                      bx_v, idx_v, tsem, *bufs_and_sems):
        bufs = bufs_and_sems[:NBUF]
        gsems = bufs_and_sems[NBUF:2 * NBUF]
        osems = bufs_and_sems[2 * NBUF:3 * NBUF]

        sid = lax.axis_index("c")
        s = lax.axis_index("s")
        wid = s * NC + sid

        scale = jnp.full((L,), float(g - 1), jnp.float32)

        jvec = lax.iota(jnp.int32, L)
        half = lax.shift_right_logical(jvec, 1)
        parity = lax.bitwise_and(jvec, 1)
        poff = parity * gg + lax.bitwise_and(wid, 1) * rep_rows
        col0 = jnp.zeros((L,), jnp.int32)
        col1 = col0 + 1

        hb = boxes_per_w // 2
        for hx in range(2):
            pltpu.sync_copy(
                boxes_hbm.at[pl.ds(wid * boxes_per_w + hx * hb, hb)], bx_v)

            @pl.loop(0, n_vec // 2)
            def _(t):
                rows = (L // 2) * t + half
                xv = plsc.load_gather(bx_v, [rows, col0])
                yv = plsc.load_gather(bx_v, [rows, col1])
                iw = ((xv * scale + _MAGIC) - _MAGIC).astype(jnp.int32)
                ih = ((yv * scale + _MAGIC) - _MAGIC).astype(jnp.int32)
                idx_v[pl.ds(hx * (n_vec // 2) * L + t * L, L)] = (
                    ih * g + iw + poff)

        wbase = wid * rows_per_w
        gd = [None] * NBUF
        od = [None] * NBUF

        def start_gather(c):
            b = c % NBUF
            gd[b] = pltpu.async_copy(
                rep_hbm.at[idx_v.at[pl.ds(c * CH, CH)]], bufs[b], gsems[b])

        LK = NBUF - 1
        for c in range(min(LK, n_chunks)):
            start_gather(c)
        for c in range(n_chunks):
            b = c % NBUF
            gd[b].wait()
            if od[b] is not None:
                od[b].wait()
            od[b] = pltpu.async_copy(
                bufs[b], out_hbm.at[pl.ds(wbase + c * CH, CH)], osems[b])
            nxt = c + LK
            if nxt < n_chunks:
                bb = nxt % NBUF
                if od[bb] is not None:
                    od[bb].wait()
                    od[bb] = None
                start_gather(nxt)
        for x in od:
            if x is not None:
                x.wait()

    return gather_kernel


def kernel(boxes_norm, grid_size, h_table, w_table):
    n, _ = boxes_norm.shape
    g, d = h_table.shape
    del grid_size
    rep = _build_replica_kernel(g, d)(h_table, w_table)
    out = _build_gather_kernel(n, g, d)(boxes_norm, rep)
    return out.reshape(n, 2 * d, 1, 1)

# --- scband reference (transcript-rebuilt; emitter-appended) ---
"""Pipeline reference for scband-positional-encoding2-d-24146306138761 (READ-ONLY COPY).

The authoritative reference and input builder live on the scoring server;
editing this copy changes nothing except your own understanding.
"""

import jax, jax.numpy as jnp
import numpy as np


def setup_inputs(seed: int = 0) -> dict:
    key = jax.random.key(seed)
    k1, k2, k3 = jax.random.split(key, 3)
    boxes_norm = jax.random.uniform(k1, (16384, 4), dtype=jnp.float32)
    h_table = jax.random.normal(k2, (32, 128), dtype=jnp.float32)
    w_table = jax.random.normal(k3, (32, 128), dtype=jnp.float32)
    grid_size = 32
    return {"boxes_norm": boxes_norm, "grid_size": grid_size, "h_table": h_table, "w_table": w_table}


def reference(boxes_norm, grid_size, h_table, w_table):
    h_coords = jnp.round(boxes_norm[:, 1] * (grid_size - 1)).astype(jnp.int32)
    w_coords = jnp.round(boxes_norm[:, 0] * (grid_size - 1)).astype(jnp.int32)
    h_pos = jnp.take(h_table, h_coords, axis=0)
    w_pos = jnp.take(w_table, w_coords, axis=0)
    pos_encoding = jnp.concatenate([h_pos, w_pos], axis=1)
    return pos_encoding[:, :, None, None]

if __name__ == "__main__":
    import jax
    _d = setup_inputs()
    print(jax.jit(kernel)(*tuple(_d.values())))

</pallas_src>

<mosaic_0001>
#map = affine_map<(d0, d1) -> (0, 0)>
module attributes {stable_mosaic.version = 14 : i64} {
  func.func @rep_kernel(%arg0: i32, %arg1: i32, %arg2: memref<32x128xf32, #tpu.memory_space<hbm>>, %arg3: memref<32x128xf32, #tpu.memory_space<hbm>>, %arg4: memref<4096x128xf32, #tpu.memory_space<hbm>>, %arg5: memref<32x128xf32, #tpu.memory_space<vmem>>, %arg6: memref<!tpu.dma_semaphore, #tpu.memory_space<semaphore_mem>>, %arg7: memref<!tpu.dma_semaphore, #tpu.memory_space<semaphore_mem>>) attributes {dimension_semantics = [#tpu.dimension_semantics<core_parallel>, #tpu.dimension_semantics<subcore_parallel>], iteration_bounds = array<i64: 2, 16>, scalar_prefetch = 0 : i64, scratch_operands = 3 : i64, tpu.core_type = #tpu.core_type<sc_vector_subcore>, window_params = [{transform_indices = #map}, {transform_indices = #map}, {transform_indices = #map}]} {
    %mul3A = arith.constant 2 : i32
    %mul3A_0 = arith.muli %arg1, %mul3A : i32
    %add3A = arith.addi %mul3A_0, %arg0 : i32
    %ge3A = arith.constant 16 : i32
    %ge3A_1 = arith.cmpi sge, %add3A, %ge3A : i32
    %convert_element_type3A = arith.extui %ge3A_1 : i1 to i32
    %cond3A = arith.constant 0 : i32
    %cond3A_2 = arith.cmpi ne, %convert_element_type3A, %cond3A : i32
    scf.if %cond3A_2 {
      "tpu.region"() ({
        %run_scoped3A = tpu.sem_alloc : memref<!tpu.dma_semaphore, #tpu.memory_space<semaphore_mem>>
        tpu.enqueue_dma source(%arg3 : memref<32x128xf32, #tpu.memory_space<hbm>>) target(%arg5 : memref<32x128xf32, #tpu.memory_space<vmem>>) target_semaphore(%run_scoped3A : memref<!tpu.dma_semaphore, #tpu.memory_space<semaphore_mem>>)
        tpu.wait_dma2 semaphore(%run_scoped3A : memref<!tpu.dma_semaphore, #tpu.memory_space<semaphore_mem>>) src(%arg3 : memref<32x128xf32, #tpu.memory_space<hbm>>) dst(%arg5 : memref<32x128xf32, #tpu.memory_space<vmem>>)
        tpu.yield
      }) : () -> ()
      %sub3A = arith.constant 16 : i32
      %sub3A_7 = arith.subi %add3A, %sub3A : i32
      %mul3A_8 = arith.constant 64 : i32
      %mul3A_9 = arith.muli %mul3A_8, %sub3A_7 : i32
      %add3A_10 = arith.constant 1024 : i32
      %add3A_11 = arith.addi %add3A_10, %mul3A_9 : i32
      %scan3A = arith.constant 0 : i32
      %scan3A_12 = arith.constant 2 : i32
      %scan3A_13 = arith.addi %scan3A, %scan3A_12 : i32
      %scan3A_14 = arith.constant 1 : i32
      scf.for %scan3A_16 = %scan3A to %scan3A_13 step %scan3A_14  : i32 {
        %mul3A_17 = arith.constant 1 : i32
        %mul3A_18 = arith.muli %scan3A_16, %mul3A_17 : i32
        %add3A_19 = arith.constant 0 : i32
        %add3A_20 = arith.addi %add3A_19, %mul3A_18 : i32
        %mul3A_21 = arith.constant 2048 : i32
        %mul3A_22 = arith.muli %add3A_20, %mul3A_21 : i32
        %add3A_23 = arith.addi %mul3A_22, %add3A_11 : i32
        %dma_start3A = arith.constant 0 : i32
        %dma_start3A_24 = tpu.memref_slice %arg4[%add3A_23, %dma_start3A] : memref<4096x128xf32, #tpu.memory_space<hbm>> -> memref<32x128xf32, #tpu.memory_space<hbm>>
        %dma_start3A_25 = arith.constant 0 : i32
        %dma_start3A_26 = tpu.memref_slice %arg4[%add3A_23, %dma_start3A_25] : memref<4096x128xf32, #tpu.memory_space<hbm>> -> memref<32x128xf32, #tpu.memory_space<hbm>>
        tpu.enqueue_dma source(%arg5 : memref<32x128xf32, #tpu.memory_space<vmem>>) target(%dma_start3A_26 : memref<32x128xf32, #tpu.memory_space<hbm>>) target_semaphore(%arg6 : memref<!tpu.dma_semaphore, #tpu.memory_space<semaphore_mem>>)
        %mul3A_27 = arith.constant 2048 : i32
        %mul3A_28 = arith.muli %add3A_20, %mul3A_27 : i32
        %add3A_29 = arith.addi %mul3A_28, %add3A_11 : i32
        %add3A_30 = arith.constant 32 : i32
        %add3A_31 = arith.addi %add3A_29, %add3A_30 : i32
        %dma_start3A_32 = arith.constant 0 : i32
        %dma_start3A_33 = tpu.memref_slice %arg4[%add3A_31, %dma_start3A_32] : memref<4096x128xf32, #tpu.memory_space<hbm>> -> memref<32x128xf32, #tpu.memory_space<hbm>>
        %dma_start3A_34 = arith.constant 0 : i32
        %dma_start3A_35 = tpu.memref_slice %arg4[%add3A_31, %dma_start3A_34] : memref<4096x128xf32, #tpu.memory_space<hbm>> -> memref<32x128xf32, #tpu.memory_space<hbm>>
        tpu.enqueue_dma source(%arg5 : memref<32x128xf32, #tpu.memory_space<vmem>>) target(%dma_start3A_35 : memref<32x128xf32, #tpu.memory_space<hbm>>) target_semaphore(%arg7 : memref<!tpu.dma_semaphore, #tpu.memory_space<semaphore_mem>>)
        %dma_wait3A = arith.constant 0 : i32
        %dma_wait3A_36 = tpu.memref_slice %arg4[%add3A_23, %dma_wait3A] : memref<4096x128xf32, #tpu.memory_space<hbm>> -> memref<32x128xf32, #tpu.memory_space<hbm>>
        %dma_wait3A_37 = arith.constant 0 : i32
        %dma_wait3A_38 = tpu.memref_slice %arg4[%add3A_23, %dma_wait3A_37] : memref<4096x128xf32, #tpu.memory_space<hbm>> -> memref<32x128xf32, #tpu.memory_space<hbm>>
        tpu.wait_dma2 semaphore(%arg6 : memref<!tpu.dma_semaphore, #tpu.memory_space<semaphore_mem>>) src(%arg5 : memref<32x128xf32, #tpu.memory_space<vmem>>) dst(%dma_wait3A_38 : memref<32x128xf32, #tpu.memory_space<hbm>>)
        %dma_wait3A_39 = arith.constant 0 : i32
        %dma_wait3A_40 = tpu.memref_slice %arg4[%add3A_31, %dma_wait3A_39] : memref<4096x128xf32, #tpu.memory_space<hbm>> -> memref<32x128xf32, #tpu.memory_space<hbm>>
        %dma_wait3A_41 = arith.constant 0 : i32
        %dma_wait3A_42 = tpu.memref_slice %arg4[%add3A_31, %dma_wait3A_41] : memref<4096x128xf32, #tpu.memory_space<hbm>> -> memref<32x128xf32, #tpu.memory_space<hbm>>
        tpu.wait_dma2 semaphore(%arg7 : memref<!tpu.dma_semaphore, #tpu.memory_space<semaphore_mem>>) src(%arg5 : memref<32x128xf32, #tpu.memory_space<vmem>>) dst(%dma_wait3A_42 : memref<32x128xf32, #tpu.memory_space<hbm>>)
      }
      %scan3A_15 = arith.constant 2 : i32
    } else {
    }
    %lt3A = arith.constant 16 : i32
    %lt3A_3 = arith.cmpi slt, %add3A, %lt3A : i32
    %convert_element_type3A_4 = arith.extui %lt3A_3 : i1 to i32
    %cond3A_5 = arith.constant 0 : i32
    %cond3A_6 = arith.cmpi ne, %convert_element_type3A_4, %cond3A_5 : i32
    scf.if %cond3A_6 {
      %scan3A = arith.constant 0 : i32
      %scan3A_7 = arith.constant 2 : i32
      %scan3A_8 = arith.addi %scan3A, %scan3A_7 : i32
      %scan3A_9 = arith.constant 1 : i32
      scf.for %scan3A_11 = %scan3A to %scan3A_8 step %scan3A_9  : i32 {
        %mul3A_12 = arith.constant 1 : i32
        %mul3A_13 = arith.muli %scan3A_11, %mul3A_12 : i32
        %add3A_14 = arith.constant 0 : i32
        %add3A_15 = arith.addi %add3A_14, %mul3A_13 : i32
        %mul3A_16 = arith.constant 2 : i32
        %mul3A_17 = arith.muli %mul3A_16, %add3A : i32
        %add3A_18 = arith.addi %mul3A_17, %add3A_15 : i32
        "tpu.region"() ({
          %run_scoped3A = tpu.sem_alloc : memref<!tpu.dma_semaphore, #tpu.memory_space<semaphore_mem>>
          %dma_start3A = arith.constant 0 : i32
          %dma_start3A_30 = arith.constant 0 : i32
          %dma_start3A_31 = tpu.memref_slice %arg5[%dma_start3A, %dma_start3A_30] : memref<32x128xf32, #tpu.memory_space<vmem>> -> memref<1x128xf32, #tpu.memory_space<vmem>>
          %dma_start3A_32 = arith.constant 0 : i32
          %dma_start3A_33 = tpu.memref_slice %arg2[%add3A_18, %dma_start3A_32] : memref<32x128xf32, #tpu.memory_space<hbm>> -> memref<1x128xf32, #tpu.memory_space<hbm>>
          %dma_start3A_34 = arith.constant 0 : i32
          %dma_start3A_35 = arith.constant 0 : i32
          %dma_start3A_36 = tpu.memref_slice %arg5[%dma_start3A_34, %dma_start3A_35] : memref<32x128xf32, #tpu.memory_space<vmem>> -> memref<1x128xf32, #tpu.memory_space<vmem>>
          %dma_start3A_37 = arith.constant 0 : i32
          %dma_start3A_38 = tpu.memref_slice %arg2[%add3A_18, %dma_start3A_37] : memref<32x128xf32, #tpu.memory_space<hbm>> -> memref<1x128xf32, #tpu.memory_space<hbm>>
          tpu.enqueue_dma source(%dma_start3A_38 : memref<1x128xf32, #tpu.memory_space<hbm>>) target(%dma_start3A_36 : memref<1x128xf32, #tpu.memory_space<vmem>>) target_semaphore(%run_scoped3A : memref<!tpu.dma_semaphore, #tpu.memory_space<semaphore_mem>>)
          %dma_wait3A = arith.constant 0 : i32
          %dma_wait3A_39 = arith.constant 0 : i32
          %dma_wait3A_40 = tpu.memref_slice %arg5[%dma_wait3A, %dma_wait3A_39] : memref<32x128xf32, #tpu.memory_space<vmem>> -> memref<1x128xf32, #tpu.memory_space<vmem>>
          %dma_wait3A_41 = arith.constant 0 : i32
          %dma_wait3A_42 = tpu.memref_slice %arg2[%add3A_18, %dma_wait3A_41] : memref<32x128xf32, #tpu.memory_space<hbm>> -> memref<1x128xf32, #tpu.memory_space<hbm>>
          %dma_wait3A_43 = arith.constant 0 : i32
          %dma_wait3A_44 = arith.constant 0 : i32
          %dma_wait3A_45 = tpu.memref_slice %arg5[%dma_wait3A_43, %dma_wait3A_44] : memref<32x128xf32, #tpu.memory_space<vmem>> -> memref<1x128xf32, #tpu.memory_space<vmem>>
          %dma_wait3A_46 = arith.constant 0 : i32
          %dma_wait3A_47 = tpu.memref_slice %arg2[%add3A_18, %dma_wait3A_46] : memref<32x128xf32, #tpu.memory_space<hbm>> -> memref<1x128xf32, #tpu.memory_space<hbm>>
          tpu.wait_dma2 semaphore(%run_scoped3A : memref<!tpu.dma_semaphore, #tpu.memory_space<semaphore_mem>>) src(%dma_wait3A_47 : memref<1x128xf32, #tpu.memory_space<hbm>>) dst(%dma_wait3A_45 : memref<1x128xf32, #tpu.memory_space<vmem>>)
          tpu.yield
        }) : () -> ()
        %scan3A_19 = arith.constant 0 : i32
        %scan3A_20 = arith.constant 0 : i32
        %scan3A_21 = arith.constant 31 : i32
        %scan3A_22 = arith.addi %scan3A_20, %scan3A_21 : i32
        %scan3A_23 = arith.constant 1 : i32
        scf.for %scan3A_30 = %scan3A_20 to %scan3A_22 step %scan3A_23  : i32 {
          %mul3A_31 = arith.constant 1 : i32
          %mul3A_32 = arith.muli %scan3A_30, %mul3A_31 : i32
          %add3A_33 = arith.constant 1 : i32
          %add3A_34 = arith.addi %add3A_33, %mul3A_32 : i32
          %scan3A_35 = arith.constant 0 : i32
          %scan3A_36 = arith.constant 8 : i32
          %scan3A_37 = arith.addi %scan3A_35, %scan3A_36 : i32
          %scan3A_38 = arith.constant 1 : i32
          scf.for %scan3A_40 = %scan3A_35 to %scan3A_37 step %scan3A_38  : i32 {
            %mul3A_41 = arith.constant 1 : i32
            %mul3A_42 = arith.muli %scan3A_40, %mul3A_41 : i32
            %add3A_43 = arith.constant 0 : i32
            %add3A_44 = arith.addi %add3A_43, %mul3A_42 : i32
            %mul3A_45 = arith.constant 16 : i32
            %mul3A_46 = arith.muli %add3A_44, %mul3A_45 : i32
            %get3A = arith.constant 0 : i32
            %get3A_47 = tpu.memref_slice %arg5[%scan3A_19, %get3A] : memref<32x128xf32, #tpu.memory_space<vmem>> -> memref<1x128xf32, #tpu.memory_space<vmem>>
            %get3A_48 = tpu.memref_squeeze %get3A_47 : memref<1x128xf32, #tpu.memory_space<vmem>> -> memref<128xf32, #tpu.memory_space<vmem>>
            %get3A_49 = arith.index_cast %mul3A_46 : i32 to index
            %get3A_50 = tpu.vector_load %get3A_48[%get3A_49] {strides = array<i32>} : memref<128xf32, #tpu.memory_space<vmem>>, vector<16xf32>,
            %mul3A_51 = arith.constant 16 : i32
            %mul3A_52 = arith.muli %add3A_44, %mul3A_51 : i32
            %swap3A = arith.constant 0 : i32
            %swap3A_53 = tpu.memref_slice %arg5[%add3A_34, %swap3A] : memref<32x128xf32, #tpu.memory_space<vmem>> -> memref<1x128xf32, #tpu.memory_space<vmem>>
            %swap3A_54 = tpu.memref_squeeze %swap3A_53 : memref<1x128xf32, #tpu.memory_space<vmem>> -> memref<128xf32, #tpu.memory_space<vmem>>
            %swap3A_55 = arith.index_cast %mul3A_52 : i32 to index
            %swap3A_56 = tpu.vector_load %swap3A_54[%swap3A_55] {strides = array<i32>} : memref<128xf32, #tpu.memory_space<vmem>>, vector<16xf32>,
            tpu.vector_store %swap3A_54[%swap3A_55], %get3A_50 {strides = array<i32>} : memref<128xf32, #tpu.memory_space<vmem>>, vector<16xf32>,
          }
          %scan3A_39 = arith.constant 8 : i32
        }
        %scan3A_24 = arith.constant 31 : i32
        %scan3A_25 = arith.constant 0 : i32
        %scan3A_26 = arith.constant 2 : i32
        %scan3A_27 = arith.addi %scan3A_25, %scan3A_26 : i32
        %scan3A_28 = arith.constant 1 : i32
        scf.for %scan3A_30 = %scan3A_25 to %scan3A_27 step %scan3A_28  : i32 {
          %mul3A_31 = arith.constant 1 : i32
          %mul3A_32 = arith.muli %scan3A_30, %mul3A_31 : i32
          %add3A_33 = arith.constant 0 : i32
          %add3A_34 = arith.addi %add3A_33, %mul3A_32 : i32
          %mul3A_35 = arith.constant 2048 : i32
          %mul3A_36 = arith.muli %add3A_34, %mul3A_35 : i32
          %mul3A_37 = arith.constant 64 : i32
          %mul3A_38 = arith.muli %mul3A_37, %add3A : i32
          %add3A_39 = arith.addi %mul3A_36, %mul3A_38 : i32
          %mul3A_40 = arith.constant 32 : i32
          %mul3A_41 = arith.muli %add3A_15, %mul3A_40 : i32
          %add3A_42 = arith.addi %add3A_39, %mul3A_41 : i32
          "tpu.region"() ({
            %run_scoped3A = tpu.sem_alloc : memref<!tpu.dma_semaphore, #tpu.memory_space<semaphore_mem>>
            %dma_start3A = arith.constant 0 : i32
            %dma_start3A_43 = tpu.memref_slice %arg4[%add3A_42, %dma_start3A] : memref<4096x128xf32, #tpu.memory_space<hbm>> -> memref<32x128xf32, #tpu.memory_space<hbm>>
            %dma_start3A_44 = arith.constant 0 : i32
            %dma_start3A_45 = tpu.memref_slice %arg4[%add3A_42, %dma_start3A_44] : memref<4096x128xf32, #tpu.memory_space<hbm>> -> memref<32x128xf32, #tpu.memory_space<hbm>>
            tpu.enqueue_dma source(%arg5 : memref<32x128xf32, #tpu.memory_space<vmem>>) target(%dma_start3A_45 : memref<32x128xf32, #tpu.memory_space<hbm>>) target_semaphore(%run_scoped3A : memref<!tpu.dma_semaphore, #tpu.memory_space<semaphore_mem>>)
            %dma_wait3A = arith.constant 0 : i32
            %dma_wait3A_46 = tpu.memref_slice %arg4[%add3A_42, %dma_wait3A] : memref<4096x128xf32, #tpu.memory_space<hbm>> -> memref<32x128xf32, #tpu.memory_space<hbm>>
            %dma_wait3A_47 = arith.constant 0 : i32
            %dma_wait3A_48 = tpu.memref_slice %arg4[%add3A_42, %dma_wait3A_47] : memref<4096x128xf32, #tpu.memory_space<hbm>> -> memref<32x128xf32, #tpu.memory_space<hbm>>
            tpu.wait_dma2 semaphore(%run_scoped3A : memref<!tpu.dma_semaphore, #tpu.memory_space<semaphore_mem>>) src(%arg5 : memref<32x128xf32, #tpu.memory_space<vmem>>) dst(%dma_wait3A_48 : memref<32x128xf32, #tpu.memory_space<hbm>>)
            tpu.yield
          }) : () -> ()
        }
        %scan3A_29 = arith.constant 2 : i32
      }
      %scan3A_10 = arith.constant 2 : i32
    } else {
    }
    return
  }
}

#map = affine_map<(d0, d1) -> (0, 0)>
module attributes {stable_mosaic.version = 14 : i64} {
  func.func @gather_kernel(%arg0: i32, %arg1: i32, %arg2: memref<16384x4xf32, #tpu.memory_space<hbm>>, %arg3: memref<4096x128xf32, #tpu.memory_space<hbm>>, %arg4: memref<32768x128xf32, #tpu.memory_space<hbm>>, %arg5: memref<256x4xf32, #tpu.memory_space<vmem>>, %arg6: memref<1024xi32, #tpu.memory_space<vmem>>, %arg7: memref<!tpu.dma_semaphore, #tpu.memory_space<semaphore_mem>>, %arg8: memref<128x128xf32, #tpu.memory_space<vmem>>, %arg9: memref<128x128xf32, #tpu.memory_space<vmem>>, %arg10: memref<128x128xf32, #tpu.memory_space<vmem>>, %arg11: memref<!tpu.dma_semaphore, #tpu.memory_space<semaphore_mem>>, %arg12: memref<!tpu.dma_semaphore, #tpu.memory_space<semaphore_mem>>, %arg13: memref<!tpu.dma_semaphore, #tpu.memory_space<semaphore_mem>>, %arg14: memref<!tpu.dma_semaphore, #tpu.memory_space<semaphore_mem>>, %arg15: memref<!tpu.dma_semaphore, #tpu.memory_space<semaphore_mem>>, %arg16: memref<!tpu.dma_semaphore, #tpu.memory_space<semaphore_mem>>) attributes {dimension_semantics = [#tpu.dimension_semantics<core_parallel>, #tpu.dimension_semantics<subcore_parallel>], iteration_bounds = array<i64: 2, 16>, scalar_prefetch = 0 : i64, scratch_operands = 12 : i64, tpu.core_type = #tpu.core_type<sc_vector_subcore>, window_params = [{transform_indices = #map}, {transform_indices = #map}, {transform_indices = #map}]} {
    %mul3A = arith.constant 2 : i32
    %mul3A_0 = arith.muli %arg1, %mul3A : i32
    %add3A = arith.addi %mul3A_0, %arg0 : i32
    %broadcast_in_dim3A = arith.constant 3.100000e+01 : f32
    %broadcast_in_dim3A_1 = vector.broadcast %broadcast_in_dim3A : f32 to vector<16xf32>
    %iota3A = tpu.iota {dimensions = array<i32: 0>} : vector<16xi32>
    %shift_right_logical3A = arith.constant 1 : i32
    %shift_right_logical3A_2 = vector.broadcast %shift_right_logical3A : i32 to vector<16xi32>
    %shift_right_logical3A_3 = arith.shrui %iota3A, %shift_right_logical3A_2 : vector<16xi32>
    %and3A = arith.constant 1 : i32
    %and3A_4 = vector.broadcast %and3A : i32 to vector<16xi32>
    %and3A_5 = arith.andi %iota3A, %and3A_4 : vector<16xi32>
    %mul3A_6 = arith.constant 1024 : i32
    %mul3A_7 = vector.broadcast %mul3A_6 : i32 to vector<16xi32>
    %mul3A_8 = arith.muli %and3A_5, %mul3A_7 : vector<16xi32>
    %and3A_9 = arith.constant 1 : i32
    %and3A_10 = arith.andi %add3A, %and3A_9 : i32
    %mul3A_11 = arith.constant 2048 : i32
    %mul3A_12 = arith.muli %and3A_10, %mul3A_11 : i32
    %add3A_13 = vector.broadcast %mul3A_12 : i32 to vector<16xi32>
    %add3A_14 = arith.addi %mul3A_8, %add3A_13 : vector<16xi32>
    %broadcast_in_dim3A_15 = arith.constant 0 : i32
    %broadcast_in_dim3A_16 = vector.broadcast %broadcast_in_dim3A_15 : i32 to vector<16xi32>
    %add3A_17 = arith.constant 1 : i32
    %add3A_18 = vector.broadcast %add3A_17 : i32 to vector<16xi32>
    %add3A_19 = arith.addi %broadcast_in_dim3A_16, %add3A_18 : vector<16xi32>
    %mul3A_20 = arith.constant 512 : i32
    %mul3A_21 = arith.muli %add3A, %mul3A_20 : i32
    %add3A_22 = arith.constant 0 : i32
    %add3A_23 = arith.addi %mul3A_21, %add3A_22 : i32
    "tpu.region"() ({
      %run_scoped3A = tpu.sem_alloc : memref<!tpu.dma_semaphore, #tpu.memory_space<semaphore_mem>>
      %dma_start3A_197 = arith.constant 0 : i32
      %dma_start3A_198 = tpu.memref_slice %arg2[%add3A_23, %dma_start3A_197] : memref<16384x4xf32, #tpu.memory_space<hbm>> -> memref<256x4xf32, #tpu.memory_space<hbm>>
      %dma_start3A_199 = arith.constant 0 : i32
      %dma_start3A_200 = tpu.memref_slice %arg2[%add3A_23, %dma_start3A_199] : memref<16384x4xf32, #tpu.memory_space<hbm>> -> memref<256x4xf32, #tpu.memory_space<hbm>>
      tpu.enqueue_dma source(%dma_start3A_200 : memref<256x4xf32, #tpu.memory_space<hbm>>) target(%arg5 : memref<256x4xf32, #tpu.memory_space<vmem>>) target_semaphore(%run_scoped3A : memref<!tpu.dma_semaphore, #tpu.memory_space<semaphore_mem>>)
      %dma_wait3A_201 = arith.constant 0 : i32
      %dma_wait3A_202 = tpu.memref_slice %arg2[%add3A_23, %dma_wait3A_201] : memref<16384x4xf32, #tpu.memory_space<hbm>> -> memref<256x4xf32, #tpu.memory_space<hbm>>
      %dma_wait3A_203 = arith.constant 0 : i32
      %dma_wait3A_204 = tpu.memref_slice %arg2[%add3A_23, %dma_wait3A_203] : memref<16384x4xf32, #tpu.memory_space<hbm>> -> memref<256x4xf32, #tpu.memory_space<hbm>>
      tpu.wait_dma2 semaphore(%run_scoped3A : memref<!tpu.dma_semaphore, #tpu.memory_space<semaphore_mem>>) src(%dma_wait3A_204 : memref<256x4xf32, #tpu.memory_space<hbm>>) dst(%arg5 : memref<256x4xf32, #tpu.memory_space<vmem>>)
      tpu.yield
    }) : () -> ()
    %scan3A = arith.constant 0 : i32
    %scan3A_24 = arith.constant 32 : i32
    %scan3A_25 = arith.addi %scan3A, %scan3A_24 : i32
    %scan3A_26 = arith.constant 1 : i32
    scf.for %scan3A_197 = %scan3A to %scan3A_25 step %scan3A_26  : i32 {
      %mul3A_198 = arith.constant 1 : i32
      %mul3A_199 = arith.muli %scan3A_197, %mul3A_198 : i32
      %add3A_200 = arith.constant 0 : i32
      %add3A_201 = arith.addi %add3A_200, %mul3A_199 : i32
      %mul3A_202 = arith.constant 8 : i32
      %mul3A_203 = arith.muli %mul3A_202, %add3A_201 : i32
      %add3A_204 = vector.broadcast %mul3A_203 : i32 to vector<16xi32>
      %add3A_205 = arith.addi %add3A_204, %shift_right_logical3A_3 : vector<16xi32>
      %gather3A = tpu.vector_load_idx %arg5[%add3A_205, %broadcast_in_dim3A_16] : memref<256x4xf32, #tpu.memory_space<vmem>>[vector<16xi32>, vector<16xi32>], vector<16xf32>,
      %gather3A_206 = tpu.vector_load_idx %arg5[%add3A_205, %add3A_19] : memref<256x4xf32, #tpu.memory_space<vmem>>[vector<16xi32>, vector<16xi32>], vector<16xf32>,
      %mul3A_207 = arith.mulf %gather3A, %broadcast_in_dim3A_1 : vector<16xf32>
      %add3A_208 = arith.constant 0x4B000000 : f32
      %add3A_209 = vector.broadcast %add3A_208 : f32 to vector<16xf32>
      %add3A_210 = arith.addf %mul3A_207, %add3A_209 : vector<16xf32>
      %sub3A = arith.constant 0x4B000000 : f32
      %sub3A_211 = vector.broadcast %sub3A : f32 to vector<16xf32>
      %sub3A_212 = arith.subf %add3A_210, %sub3A_211 : vector<16xf32>
      %convert_element_type3A = arith.fptosi %sub3A_212 : vector<16xf32> to vector<16xi32>
      %mul3A_213 = arith.mulf %gather3A_206, %broadcast_in_dim3A_1 : vector<16xf32>
      %add3A_214 = arith.constant 0x4B000000 : f32
      %add3A_215 = vector.broadcast %add3A_214 : f32 to vector<16xf32>
      %add3A_216 = arith.addf %mul3A_213, %add3A_215 : vector<16xf32>
      %sub3A_217 = arith.constant 0x4B000000 : f32
      %sub3A_218 = vector.broadcast %sub3A_217 : f32 to vector<16xf32>
      %sub3A_219 = arith.subf %add3A_216, %sub3A_218 : vector<16xf32>
      %convert_element_type3A_220 = arith.fptosi %sub3A_219 : vector<16xf32> to vector<16xi32>
      %mul3A_221 = arith.constant 32 : i32
      %mul3A_222 = vector.broadcast %mul3A_221 : i32 to vector<16xi32>
      %mul3A_223 = arith.muli %convert_element_type3A_220, %mul3A_222 : vector<16xi32>
      %add3A_224 = arith.addi %mul3A_223, %convert_element_type3A : vector<16xi32>
      %add3A_225 = arith.addi %add3A_224, %add3A_14 : vector<16xi32>
      %mul3A_226 = arith.constant 16 : i32
      %mul3A_227 = arith.muli %add3A_201, %mul3A_226 : i32
      %add3A_228 = arith.constant 0 : i32
      %add3A_229 = arith.addi %add3A_228, %mul3A_227 : i32
      %swap3A = arith.index_cast %add3A_229 : i32 to index
      %swap3A_230 = tpu.vector_load %arg6[%swap3A] {strides = array<i32>} : memref<1024xi32, #tpu.memory_space<vmem>>, vector<16xi32>,
      tpu.vector_store %arg6[%swap3A], %add3A_225 {strides = array<i32>} : memref<1024xi32, #tpu.memory_space<vmem>>, vector<16xi32>,
    }
    %scan3A_27 = arith.constant 32 : i32
    %mul3A_28 = arith.constant 512 : i32
    %mul3A_29 = arith.muli %add3A, %mul3A_28 : i32
    %add3A_30 = arith.constant 256 : i32
    %add3A_31 = arith.addi %mul3A_29, %add3A_30 : i32
    "tpu.region"() ({
      %run_scoped3A = tpu.sem_alloc : memref<!tpu.dma_semaphore, #tpu.memory_space<semaphore_mem>>
      %dma_start3A_197 = arith.constant 0 : i32
      %dma_start3A_198 = tpu.memref_slice %arg2[%add3A_31, %dma_start3A_197] : memref<16384x4xf32, #tpu.memory_space<hbm>> -> memref<256x4xf32, #tpu.memory_space<hbm>>
      %dma_start3A_199 = arith.constant 0 : i32
      %dma_start3A_200 = tpu.memref_slice %arg2[%add3A_31, %dma_start3A_199] : memref<16384x4xf32, #tpu.memory_space<hbm>> -> memref<256x4xf32, #tpu.memory_space<hbm>>
      tpu.enqueue_dma source(%dma_start3A_200 : memref<256x4xf32, #tpu.memory_space<hbm>>) target(%arg5 : memref<256x4xf32, #tpu.memory_space<vmem>>) target_semaphore(%run_scoped3A : memref<!tpu.dma_semaphore, #tpu.memory_space<semaphore_mem>>)
      %dma_wait3A_201 = arith.constant 0 : i32
      %dma_wait3A_202 = tpu.memref_slice %arg2[%add3A_31, %dma_wait3A_201] : memref<16384x4xf32, #tpu.memory_space<hbm>> -> memref<256x4xf32, #tpu.memory_space<hbm>>
      %dma_wait3A_203 = arith.constant 0 : i32
      %dma_wait3A_204 = tpu.memref_slice %arg2[%add3A_31, %dma_wait3A_203] : memref<16384x4xf32, #tpu.memory_space<hbm>> -> memref<256x4xf32, #tpu.memory_space<hbm>>
      tpu.wait_dma2 semaphore(%run_scoped3A : memref<!tpu.dma_semaphore, #tpu.memory_space<semaphore_mem>>) src(%dma_wait3A_204 : memref<256x4xf32, #tpu.memory_space<hbm>>) dst(%arg5 : memref<256x4xf32, #tpu.memory_space<vmem>>)
      tpu.yield
    }) : () -> ()
    %scan3A_32 = arith.constant 0 : i32
    %scan3A_33 = arith.constant 32 : i32
    %scan3A_34 = arith.addi %scan3A_32, %scan3A_33 : i32
    %scan3A_35 = arith.constant 1 : i32
    scf.for %scan3A_197 = %scan3A_32 to %scan3A_34 step %scan3A_35  : i32 {
      %mul3A_198 = arith.constant 1 : i32
      %mul3A_199 = arith.muli %scan3A_197, %mul3A_198 : i32
      %add3A_200 = arith.constant 0 : i32
      %add3A_201 = arith.addi %add3A_200, %mul3A_199 : i32
      %mul3A_202 = arith.constant 8 : i32
      %mul3A_203 = arith.muli %mul3A_202, %add3A_201 : i32
      %add3A_204 = vector.broadcast %mul3A_203 : i32 to vector<16xi32>
      %add3A_205 = arith.addi %add3A_204, %shift_right_logical3A_3 : vector<16xi32>
      %gather3A = tpu.vector_load_idx %arg5[%add3A_205, %broadcast_in_dim3A_16] : memref<256x4xf32, #tpu.memory_space<vmem>>[vector<16xi32>, vector<16xi32>], vector<16xf32>,
      %gather3A_206 = tpu.vector_load_idx %arg5[%add3A_205, %add3A_19] : memref<256x4xf32, #tpu.memory_space<vmem>>[vector<16xi32>, vector<16xi32>], vector<16xf32>,
      %mul3A_207 = arith.mulf %gather3A, %broadcast_in_dim3A_1 : vector<16xf32>
      %add3A_208 = arith.constant 0x4B000000 : f32
      %add3A_209 = vector.broadcast %add3A_208 : f32 to vector<16xf32>
      %add3A_210 = arith.addf %mul3A_207, %add3A_209 : vector<16xf32>
      %sub3A = arith.constant 0x4B000000 : f32
      %sub3A_211 = vector.broadcast %sub3A : f32 to vector<16xf32>
      %sub3A_212 = arith.subf %add3A_210, %sub3A_211 : vector<16xf32>
      %convert_element_type3A = arith.fptosi %sub3A_212 : vector<16xf32> to vector<16xi32>
      %mul3A_213 = arith.mulf %gather3A_206, %broadcast_in_dim3A_1 : vector<16xf32>
      %add3A_214 = arith.constant 0x4B000000 : f32
      %add3A_215 = vector.broadcast %add3A_214 : f32 to vector<16xf32>
      %add3A_216 = arith.addf %mul3A_213, %add3A_215 : vector<16xf32>
      %sub3A_217 = arith.constant 0x4B000000 : f32
      %sub3A_218 = vector.broadcast %sub3A_217 : f32 to vector<16xf32>
      %sub3A_219 = arith.subf %add3A_216, %sub3A_218 : vector<16xf32>
      %convert_element_type3A_220 = arith.fptosi %sub3A_219 : vector<16xf32> to vector<16xi32>
      %mul3A_221 = arith.constant 32 : i32
      %mul3A_222 = vector.broadcast %mul3A_221 : i32 to vector<16xi32>
      %mul3A_223 = arith.muli %convert_element_type3A_220, %mul3A_222 : vector<16xi32>
      %add3A_224 = arith.addi %mul3A_223, %convert_element_type3A : vector<16xi32>
      %add3A_225 = arith.addi %add3A_224, %add3A_14 : vector<16xi32>
      %mul3A_226 = arith.constant 16 : i32
      %mul3A_227 = arith.muli %add3A_201, %mul3A_226 : i32
      %add3A_228 = arith.constant 512 : i32
      %add3A_229 = arith.addi %add3A_228, %mul3A_227 : i32
      %swap3A = arith.index_cast %add3A_229 : i32 to index
      %swap3A_230 = tpu.vector_load %arg6[%swap3A] {strides = array<i32>} : memref<1024xi32, #tpu.memory_space<vmem>>, vector<16xi32>,
      tpu.vector_store %arg6[%swap3A], %add3A_225 {strides = array<i32>} : memref<1024xi32, #tpu.memory_space<vmem>>, vector<16xi32>,
    }
    %scan3A_36 = arith.constant 32 : i32
    %mul3A_37 = arith.constant 1024 : i32
    %mul3A_38 = arith.muli %add3A, %mul3A_37 : i32
    %dma_start3A = arith.constant 0 : i32
    %dma_start3A_39 = tpu.memref_slice %arg6[%dma_start3A] : memref<1024xi32, #tpu.memory_space<vmem>> -> memref<128xi32, #tpu.memory_space<vmem>>
    %dma_start3A_40 = arith.constant 0 : i32
    %dma_start3A_41 = arith.constant 0 : i32
    %dma_start3A_42 = tpu.memref_slice %arg3[%dma_start3A_40, %dma_start3A_41] : memref<4096x128xf32, #tpu.memory_space<hbm>> -> memref<4096x128xf32, #tpu.memory_space<hbm>>
    tpu.enqueue_indirect_dma source(%dma_start3A_42 : memref<4096x128xf32, #tpu.memory_space<hbm>>) target(%arg8 : memref<128x128xf32, #tpu.memory_space<vmem>>) offsets(%dma_start3A_39 : memref<128xi32, #tpu.memory_space<vmem>>) semaphore(%arg11 : memref<!tpu.dma_semaphore, #tpu.memory_space<semaphore_mem>>)
    %dma_start3A_43 = arith.constant 128 : i32
    %dma_start3A_44 = tpu.memref_slice %arg6[%dma_start3A_43] : memref<1024xi32, #tpu.memory_space<vmem>> -> memref<128xi32, #tpu.memory_space<vmem>>
    %dma_start3A_45 = arith.constant 0 : i32
    %dma_start3A_46 = arith.constant 0 : i32
    %dma_start3A_47 = tpu.memref_slice %arg3[%dma_start3A_45, %dma_start3A_46] : memref<4096x128xf32, #tpu.memory_space<hbm>> -> memref<4096x128xf32, #tpu.memory_space<hbm>>
    tpu.enqueue_indirect_dma source(%dma_start3A_47 : memref<4096x128xf32, #tpu.memory_space<hbm>>) target(%arg9 : memref<128x128xf32, #tpu.memory_space<vmem>>) offsets(%dma_start3A_44 : memref<128xi32, #tpu.memory_space<vmem>>) semaphore(%arg12 : memref<!tpu.dma_semaphore, #tpu.memory_space<semaphore_mem>>)
    %dma_wait3A = arith.constant 0 : i32
    %dma_wait3A_48 = tpu.memref_slice %arg6[%dma_wait3A] : memref<1024xi32, #tpu.memory_space<vmem>> -> memref<128xi32, #tpu.memory_space<vmem>>
    %dma_wait3A_49 = arith.constant 0 : i32
    %dma_wait3A_50 = arith.constant 0 : i32
    %dma_wait3A_51 = tpu.memref_slice %arg3[%dma_wait3A_49, %dma_wait3A_50] : memref<4096x128xf32, #tpu.memory_space<hbm>> -> memref<4096x128xf32, #tpu.memory_space<hbm>>
    tpu.wait_indirect_dma semaphore(%arg11 : memref<!tpu.dma_semaphore, #tpu.memory_space<semaphore_mem>>) src(%dma_wait3A_51 : memref<4096x128xf32, #tpu.memory_space<hbm>>) dst(%arg8 : memref<128x128xf32, #tpu.memory_space<vmem>>)
    %add3A_52 = arith.constant 0 : i32
    %add3A_53 = arith.addi %mul3A_38, %add3A_52 : i32
    %dma_start3A_54 = arith.constant 0 : i32
    %dma_start3A_55 = tpu.memref_slice %arg4[%add3A_53, %dma_start3A_54] : memref<32768x128xf32, #tpu.memory_space<hbm>> -> memref<128x128xf32, #tpu.memory_space<hbm>>
    %dma_start3A_56 = arith.constant 0 : i32
    %dma_start3A_57 = tpu.memref_slice %arg4[%add3A_53, %dma_start3A_56] : memref<32768x128xf32, #tpu.memory_space<hbm>> -> memref<128x128xf32, #tpu.memory_space<hbm>>
    tpu.enqueue_dma source(%arg8 : memref<128x128xf32, #tpu.memory_space<vmem>>) target(%dma_start3A_57 : memref<128x128xf32, #tpu.memory_space<hbm>>) target_semaphore(%arg14 : memref<!tpu.dma_semaphore, #tpu.memory_space<semaphore_mem>>)
    %dma_start3A_58 = arith.constant 256 : i32
    %dma_start3A_59 = tpu.memref_slice %arg6[%dma_start3A_58] : memref<1024xi32, #tpu.memory_space<vmem>> -> memref<128xi32, #tpu.memory_space<vmem>>
    %dma_start3A_60 = arith.constant 0 : i32
    %dma_start3A_61 = arith.constant 0 : i32
    %dma_start3A_62 = tpu.memref_slice %arg3[%dma_start3A_60, %dma_start3A_61] : memref<4096x128xf32, #tpu.memory_space<hbm>> -> memref<4096x128xf32, #tpu.memory_space<hbm>>
    tpu.enqueue_indirect_dma source(%dma_start3A_62 : memref<4096x128xf32, #tpu.memory_space<hbm>>) target(%arg10 : memref<128x128xf32, #tpu.memory_space<vmem>>) offsets(%dma_start3A_59 : memref<128xi32, #tpu.memory_space<vmem>>) semaphore(%arg13 : memref<!tpu.dma_semaphore, #tpu.memory_space<semaphore_mem>>)
    %dma_wait3A_63 = arith.constant 128 : i32
    %dma_wait3A_64 = tpu.memref_slice %arg6[%dma_wait3A_63] : memref<1024xi32, #tpu.memory_space<vmem>> -> memref<128xi32, #tpu.memory_space<vmem>>
    %dma_wait3A_65 = arith.constant 0 : i32
    %dma_wait3A_66 = arith.constant 0 : i32
    %dma_wait3A_67 = tpu.memref_slice %arg3[%dma_wait3A_65, %dma_wait3A_66] : memref<4096x128xf32, #tpu.memory_space<hbm>> -> memref<4096x128xf32, #tpu.memory_space<hbm>>
    tpu.wait_indirect_dma semaphore(%arg12 : memref<!tpu.dma_semaphore, #tpu.memory_space<semaphore_mem>>) src(%dma_wait3A_67 : memref<4096x128xf32, #tpu.memory_space<hbm>>) dst(%arg9 : memref<128x128xf32, #tpu.memory_space<vmem>>)
    %add3A_68 = arith.constant 128 : i32
    %add3A_69 = arith.addi %mul3A_38, %add3A_68 : i32
    %dma_start3A_70 = arith.constant 0 : i32
    %dma_start3A_71 = tpu.memref_slice %arg4[%add3A_69, %dma_start3A_70] : memref<32768x128xf32, #tpu.memory_space<hbm>> -> memref<128x128xf32, #tpu.memory_space<hbm>>
    %dma_start3A_72 = arith.constant 0 : i32
    %dma_start3A_73 = tpu.memref_slice %arg4[%add3A_69, %dma_start3A_72] : memref<32768x128xf32, #tpu.memory_space<hbm>> -> memref<128x128xf32, #tpu.memory_space<hbm>>
    tpu.enqueue_dma source(%arg9 : memref<128x128xf32, #tpu.memory_space<vmem>>) target(%dma_start3A_73 : memref<128x128xf32, #tpu.memory_space<hbm>>) target_semaphore(%arg15 : memref<!tpu.dma_semaphore, #tpu.memory_space<semaphore_mem>>)
    %dma_wait3A_74 = arith.constant 0 : i32
    %dma_wait3A_75 = tpu.memref_slice %arg4[%add3A_53, %dma_wait3A_74] : memref<32768x128xf32, #tpu.memory_space<hbm>> -> memref<128x128xf32, #tpu.memory_space<hbm>>
    %dma_wait3A_76 = arith.constant 0 : i32
    %dma_wait3A_77 = tpu.memref_slice %arg4[%add3A_53, %dma_wait3A_76] : memref<32768x128xf32, #tpu.memory_space<hbm>> -> memref<128x128xf32, #tpu.memory_space<hbm>>
    tpu.wait_dma2 semaphore(%arg14 : memref<!tpu.dma_semaphore, #tpu.memory_space<semaphore_mem>>) src(%arg8 : memref<128x128xf32, #tpu.memory_space<vmem>>) dst(%dma_wait3A_77 : memref<128x128xf32, #tpu.memory_space<hbm>>)
    %dma_start3A_78 = arith.constant 384 : i32
    %dma_start3A_79 = tpu.memref_slice %arg6[%dma_start3A_78] : memref<1024xi32, #tpu.memory_space<vmem>> -> memref<128xi32, #tpu.memory_space<vmem>>
    %dma_start3A_80 = arith.constant 0 : i32
    %dma_start3A_81 = arith.constant 0 : i32
    %dma_start3A_82 = tpu.memref_slice %arg3[%dma_start3A_80, %dma_start3A_81] : memref<4096x128xf32, #tpu.memory_space<hbm>> -> memref<4096x128xf32, #tpu.memory_space<hbm>>
    tpu.enqueue_indirect_dma source(%dma_start3A_82 : memref<4096x128xf32, #tpu.memory_space<hbm>>) target(%arg8 : memref<128x128xf32, #tpu.memory_space<vmem>>) offsets(%dma_start3A_79 : memref<128xi32, #tpu.memory_space<vmem>>) semaphore(%arg11 : memref<!tpu.dma_semaphore, #tpu.memory_space<semaphore_mem>>)
    %dma_wait3A_83 = arith.constant 256 : i32
    %dma_wait3A_84 = tpu.memref_slice %arg6[%dma_wait3A_83] : memref<1024xi32, #tpu.memory_space<vmem>> -> memref<128xi32, #tpu.memory_space<vmem>>
    %dma_wait3A_85 = arith.constant 0 : i32
    %dma_wait3A_86 = arith.constant 0 : i32
    %dma_wait3A_87 = tpu.memref_slice %arg3[%dma_wait3A_85, %dma_wait3A_86] : memref<4096x128xf32, #tpu.memory_space<hbm>> -> memref<4096x128xf32, #tpu.memory_space<hbm>>
    tpu.wait_indirect_dma semaphore(%arg13 : memref<!tpu.dma_semaphore, #tpu.memory_space<semaphore_mem>>) src(%dma_wait3A_87 : memref<4096x128xf32, #tpu.memory_space<hbm>>) dst(%arg10 : memref<128x128xf32, #tpu.memory_space<vmem>>)
    %add3A_88 = arith.constant 256 : i32
    %add3A_89 = arith.addi %mul3A_38, %add3A_88 : i32
    %dma_start3A_90 = arith.constant 0 : i32
    %dma_start3A_91 = tpu.memref_slice %arg4[%add3A_89, %dma_start3A_90] : memref<32768x128xf32, #tpu.memory_space<hbm>> -> memref<128x128xf32, #tpu.memory_space<hbm>>
    %dma_start3A_92 = arith.constant 0 : i32
    %dma_start3A_93 = tpu.memref_slice %arg4[%add3A_89, %dma_start3A_92] : memref<32768x128xf32, #tpu.memory_space<hbm>> -> memref<128x128xf32, #tpu.memory_space<hbm>>
    tpu.enqueue_dma source(%arg10 : memref<128x128xf32, #tpu.memory_space<vmem>>) target(%dma_start3A_93 : memref<128x128xf32, #tpu.memory_space<hbm>>) target_semaphore(%arg16 : memref<!tpu.dma_semaphore, #tpu.memory_space<semaphore_mem>>)
    %dma_wait3A_94 = arith.constant 0 : i32
    %dma_wait3A_95 = tpu.memref_slice %arg4[%add3A_69, %dma_wait3A_94] : memref<32768x128xf32, #tpu.memory_space<hbm>> -> memref<128x128xf32, #tpu.memory_space<hbm>>
    %dma_wait3A_96 = arith.constant 0 : i32
    %dma_wait3A_97 = tpu.memref_slice %arg4[%add3A_69, %dma_wait3A_96] : memref<32768x128xf32, #tpu.memory_space<hbm>> -> memref<128x128xf32, #tpu.memory_space<hbm>>
    tpu.wait_dma2 semaphore(%arg15 : memref<!tpu.dma_semaphore, #tpu.memory_space<semaphore_mem>>) src(%arg9 : memref<128x128xf32, #tpu.memory_space<vmem>>) dst(%dma_wait3A_97 : memref<128x128xf32, #tpu.memory_space<hbm>>)
    %dma_start3A_98 = arith.constant 512 : i32
    %dma_start3A_99 = tpu.memref_slice %arg6[%dma_start3A_98] : memref<1024xi32, #tpu.memory_space<vmem>> -> memref<128xi32, #tpu.memory_space<vmem>>
    %dma_start3A_100 = arith.constant 0 : i32
    %dma_start3A_101 = arith.constant 0 : i32
    %dma_start3A_102 = tpu.memref_slice %arg3[%dma_start3A_100, %dma_start3A_101] : memref<4096x128xf32, #tpu.memory_space<hbm>> -> memref<4096x128xf32, #tpu.memory_space<hbm>>
    tpu.enqueue_indirect_dma source(%dma_start3A_102 : memref<4096x128xf32, #tpu.memory_space<hbm>>) target(%arg9 : memref<128x128xf32, #tpu.memory_space<vmem>>) offsets(%dma_start3A_99 : memref<128xi32, #tpu.memory_space<vmem>>) semaphore(%arg12 : memref<!tpu.dma_semaphore, #tpu.memory_space<semaphore_mem>>)
    %dma_wait3A_103 = arith.constant 384 : i32
    %dma_wait3A_104 = tpu.memref_slice %arg6[%dma_wait3A_103] : memref<1024xi32, #tpu.memory_space<vmem>> -> memref<128xi32, #tpu.memory_space<vmem>>
    %dma_wait3A_105 = arith.constant 0 : i32
    %dma_wait3A_106 = arith.constant 0 : i32
    %dma_wait3A_107 = tpu.memref_slice %arg3[%dma_wait3A_105, %dma_wait3A_106] : memref<4096x128xf32, #tpu.memory_space<hbm>> -> memref<4096x128xf32, #tpu.memory_space<hbm>>
    tpu.wait_indirect_dma semaphore(%arg11 : memref<!tpu.dma_semaphore, #tpu.memory_space<semaphore_mem>>) src(%dma_wait3A_107 : memref<4096x128xf32, #tpu.memory_space<hbm>>) dst(%arg8 : memref<128x128xf32, #tpu.memory_space<vmem>>)
    %add3A_108 = arith.constant 384 : i32
    %add3A_109 = arith.addi %mul3A_38, %add3A_108 : i32
    %dma_start3A_110 = arith.constant 0 : i32
    %dma_start3A_111 = tpu.memref_slice %arg4[%add3A_109, %dma_start3A_110] : memref<32768x128xf32, #tpu.memory_space<hbm>> -> memref<128x128xf32, #tpu.memory_space<hbm>>
    %dma_start3A_112 = arith.constant 0 : i32
    %dma_start3A_113 = tpu.memref_slice %arg4[%add3A_109, %dma_start3A_112] : memref<32768x128xf32, #tpu.memory_space<hbm>> -> memref<128x128xf32, #tpu.memory_space<hbm>>
    tpu.enqueue_dma source(%arg8 : memref<128x128xf32, #tpu.memory_space<vmem>>) target(%dma_start3A_113 : memref<128x128xf32, #tpu.memory_space<hbm>>) target_semaphore(%arg14 : memref<!tpu.dma_semaphore, #tpu.memory_space<semaphore_mem>>)
    %dma_wait3A_114 = arith.constant 0 : i32
    %dma_wait3A_115 = tpu.memref_slice %arg4[%add3A_89, %dma_wait3A_114] : memref<32768x128xf32, #tpu.memory_space<hbm>> -> memref<128x128xf32, #tpu.memory_space<hbm>>
    %dma_wait3A_116 = arith.constant 0 : i32
    %dma_wait3A_117 = tpu.memref_slice %arg4[%add3A_89, %dma_wait3A_116] : memref<32768x128xf32, #tpu.memory_space<hbm>> -> memref<128x128xf32, #tpu.memory_space<hbm>>
    tpu.wait_dma2 semaphore(%arg16 : memref<!tpu.dma_semaphore, #tpu.memory_space<semaphore_mem>>) src(%arg10 : memref<128x128xf32, #tpu.memory_space<vmem>>) dst(%dma_wait3A_117 : memref<128x128xf32, #tpu.memory_space<hbm>>)
    %dma_start3A_118 = arith.constant 640 : i32
    %dma_start3A_119 = tpu.memref_slice %arg6[%dma_start3A_118] : memref<1024xi32, #tpu.memory_space<vmem>> -> memref<128xi32, #tpu.memory_space<vmem>>
    %dma_start3A_120 = arith.constant 0 : i32
    %dma_start3A_121 = arith.constant 0 : i32
    %dma_start3A_122 = tpu.memref_slice %arg3[%dma_start3A_120, %dma_start3A_121] : memref<4096x128xf32, #tpu.memory_space<hbm>> -> memref<4096x128xf32, #tpu.memory_space<hbm>>
    tpu.enqueue_indirect_dma source(%dma_start3A_122 : memref<4096x128xf32, #tpu.memory_space<hbm>>) target(%arg10 : memref<128x128xf32, #tpu.memory_space<vmem>>) offsets(%dma_start3A_119 : memref<128xi32, #tpu.memory_space<vmem>>) semaphore(%arg13 : memref<!tpu.dma_semaphore, #tpu.memory_space<semaphore_mem>>)
    %dma_wait3A_123 = arith.constant 512 : i32
    %dma_wait3A_124 = tpu.memref_slice %arg6[%dma_wait3A_123] : memref<1024xi32, #tpu.memory_space<vmem>> -> memref<128xi32, #tpu.memory_space<vmem>>
    %dma_wait3A_125 = arith.constant 0 : i32
    %dma_wait3A_126 = arith.constant 0 : i32
    %dma_wait3A_127 = tpu.memref_slice %arg3[%dma_wait3A_125, %dma_wait3A_126] : memref<4096x128xf32, #tpu.memory_space<hbm>> -> memref<4096x128xf32, #tpu.memory_space<hbm>>
    tpu.wait_indirect_dma semaphore(%arg12 : memref<!tpu.dma_semaphore, #tpu.memory_space<semaphore_mem>>) src(%dma_wait3A_127 : memref<4096x128xf32, #tpu.memory_space<hbm>>) dst(%arg9 : memref<128x128xf32, #tpu.memory_space<vmem>>)
    %add3A_128 = arith.constant 512 : i32
    %add3A_129 = arith.addi %mul3A_38, %add3A_128 : i32
    %dma_start3A_130 = arith.constant 0 : i32
    %dma_start3A_131 = tpu.memref_slice %arg4[%add3A_129, %dma_start3A_130] : memref<32768x128xf32, #tpu.memory_space<hbm>> -> memref<128x128xf32, #tpu.memory_space<hbm>>
    %dma_start3A_132 = arith.constant 0 : i32
    %dma_start3A_133 = tpu.memref_slice %arg4[%add3A_129, %dma_start3A_132] : memref<32768x128xf32, #tpu.memory_space<hbm>> -> memref<128x128xf32, #tpu.memory_space<hbm>>
    tpu.enqueue_dma source(%arg9 : memref<128x128xf32, #tpu.memory_space<vmem>>) target(%dma_start3A_133 : memref<128x128xf32, #tpu.memory_space<hbm>>) target_semaphore(%arg15 : memref<!tpu.dma_semaphore, #tpu.memory_space<semaphore_mem>>)
    %dma_wait3A_134 = arith.constant 0 : i32
    %dma_wait3A_135 = tpu.memref_slice %arg4[%add3A_109, %dma_wait3A_134] : memref<32768x128xf32, #tpu.memory_space<hbm>> -> memref<128x128xf32, #tpu.memory_space<hbm>>
    %dma_wait3A_136 = arith.constant 0 : i32
    %dma_wait3A_137 = tpu.memref_slice %arg4[%add3A_109, %dma_wait3A_136] : memref<32768x128xf32, #tpu.memory_space<hbm>> -> memref<128x128xf32, #tpu.memory_space<hbm>>
    tpu.wait_dma2 semaphore(%arg14 : memref<!tpu.dma_semaphore, #tpu.memory_space<semaphore_mem>>) src(%arg8 : memref<128x128xf32, #tpu.memory_space<vmem>>) dst(%dma_wait3A_137 : memref<128x128xf32, #tpu.memory_space<hbm>>)
    %dma_start3A_138 = arith.constant 768 : i32
    %dma_start3A_139 = tpu.memref_slice %arg6[%dma_start3A_138] : memref<1024xi32, #tpu.memory_space<vmem>> -> memref<128xi32, #tpu.memory_space<vmem>>
    %dma_start3A_140 = arith.constant 0 : i32
    %dma_start3A_141 = arith.constant 0 : i32
    %dma_start3A_142 = tpu.memref_slice %arg3[%dma_start3A_140, %dma_start3A_141] : memref<4096x128xf32, #tpu.memory_space<hbm>> -> memref<4096x128xf32, #tpu.memory_space<hbm>>
    tpu.enqueue_indirect_dma source(%dma_start3A_142 : memref<4096x128xf32, #tpu.memory_space<hbm>>) target(%arg8 : memref<128x128xf32, #tpu.memory_space<vmem>>) offsets(%dma_start3A_139 : memref<128xi32, #tpu.memory_space<vmem>>) semaphore(%arg11 : memref<!tpu.dma_semaphore, #tpu.memory_space<semaphore_mem>>)
    %dma_wait3A_143 = arith.constant 640 : i32
    %dma_wait3A_144 = tpu.memref_slice %arg6[%dma_wait3A_143] : memref<1024xi32, #tpu.memory_space<vmem>> -> memref<128xi32, #tpu.memory_space<vmem>>
    %dma_wait3A_145 = arith.constant 0 : i32
    %dma_wait3A_146 = arith.constant 0 : i32
    %dma_wait3A_147 = tpu.memref_slice %arg3[%dma_wait3A_145, %dma_wait3A_146] : memref<4096x128xf32, #tpu.memory_space<hbm>> -> memref<4096x128xf32, #tpu.memory_space<hbm>>
    tpu.wait_indirect_dma semaphore(%arg13 : memref<!tpu.dma_semaphore, #tpu.memory_space<semaphore_mem>>) src(%dma_wait3A_147 : memref<4096x128xf32, #tpu.memory_space<hbm>>) dst(%arg10 : memref<128x128xf32, #tpu.memory_space<vmem>>)
    %add3A_148 = arith.constant 640 : i32
    %add3A_149 = arith.addi %mul3A_38, %add3A_148 : i32
    %dma_start3A_150 = arith.constant 0 : i32
    %dma_start3A_151 = tpu.memref_slice %arg4[%add3A_149, %dma_start3A_150] : memref<32768x128xf32, #tpu.memory_space<hbm>> -> memref<128x128xf32, #tpu.memory_space<hbm>>
    %dma_start3A_152 = arith.constant 0 : i32
    %dma_start3A_153 = tpu.memref_slice %arg4[%add3A_149, %dma_start3A_152] : memref<32768x128xf32, #tpu.memory_space<hbm>> -> memref<128x128xf32, #tpu.memory_space<hbm>>
    tpu.enqueue_dma source(%arg10 : memref<128x128xf32, #tpu.memory_space<vmem>>) target(%dma_start3A_153 : memref<128x128xf32, #tpu.memory_space<hbm>>) target_semaphore(%arg16 : memref<!tpu.dma_semaphore, #tpu.memory_space<semaphore_mem>>)
    %dma_wait3A_154 = arith.constant 0 : i32
    %dma_wait3A_155 = tpu.memref_slice %arg4[%add3A_129, %dma_wait3A_154] : memref<32768x128xf32, #tpu.memory_space<hbm>> -> memref<128x128xf32, #tpu.memory_space<hbm>>
    %dma_wait3A_156 = arith.constant 0 : i32
    %dma_wait3A_157 = tpu.memref_slice %arg4[%add3A_129, %dma_wait3A_156] : memref<32768x128xf32, #tpu.memory_space<hbm>> -> memref<128x128xf32, #tpu.memory_space<hbm>>
    tpu.wait_dma2 semaphore(%arg15 : memref<!tpu.dma_semaphore, #tpu.memory_space<semaphore_mem>>) src(%arg9 : memref<128x128xf32, #tpu.memory_space<vmem>>) dst(%dma_wait3A_157 : memref<128x128xf32, #tpu.memory_space<hbm>>)
    %dma_start3A_158 = arith.constant 896 : i32
    %dma_start3A_159 = tpu.memref_slice %arg6[%dma_start3A_158] : memref<1024xi32, #tpu.memory_space<vmem>> -> memref<128xi32, #tpu.memory_space<vmem>>
    %dma_start3A_160 = arith.constant 0 : i32
    %dma_start3A_161 = arith.constant 0 : i32
    %dma_start3A_162 = tpu.memref_slice %arg3[%dma_start3A_160, %dma_start3A_161] : memref<4096x128xf32, #tpu.memory_space<hbm>> -> memref<4096x128xf32, #tpu.memory_space<hbm>>
    tpu.enqueue_indirect_dma source(%dma_start3A_162 : memref<4096x128xf32, #tpu.memory_space<hbm>>) target(%arg9 : memref<128x128xf32, #tpu.memory_space<vmem>>) offsets(%dma_start3A_159 : memref<128xi32, #tpu.memory_space<vmem>>) semaphore(%arg12 : memref<!tpu.dma_semaphore, #tpu.memory_space<semaphore_mem>>)
    %dma_wait3A_163 = arith.constant 768 : i32
    %dma_wait3A_164 = tpu.memref_slice %arg6[%dma_wait3A_163] : memref<1024xi32, #tpu.memory_space<vmem>> -> memref<128xi32, #tpu.memory_space<vmem>>
    %dma_wait3A_165 = arith.constant 0 : i32
    %dma_wait3A_166 = arith.constant 0 : i32
    %dma_wait3A_167 = tpu.memref_slice %arg3[%dma_wait3A_165, %dma_wait3A_166] : memref<4096x128xf32, #tpu.memory_space<hbm>> -> memref<4096x128xf32, #tpu.memory_space<hbm>>
    tpu.wait_indirect_dma semaphore(%arg11 : memref<!tpu.dma_semaphore, #tpu.memory_space<semaphore_mem>>) src(%dma_wait3A_167 : memref<4096x128xf32, #tpu.memory_space<hbm>>) dst(%arg8 : memref<128x128xf32, #tpu.memory_space<vmem>>)
    %add3A_168 = arith.constant 768 : i32
    %add3A_169 = arith.addi %mul3A_38, %add3A_168 : i32
    %dma_start3A_170 = arith.constant 0 : i32
    %dma_start3A_171 = tpu.memref_slice %arg4[%add3A_169, %dma_start3A_170] : memref<32768x128xf32, #tpu.memory_space<hbm>> -> memref<128x128xf32, #tpu.memory_space<hbm>>
    %dma_start3A_172 = arith.constant 0 : i32
    %dma_start3A_173 = tpu.memref_slice %arg4[%add3A_169, %dma_start3A_172] : memref<32768x128xf32, #tpu.memory_space<hbm>> -> memref<128x128xf32, #tpu.memory_space<hbm>>
    tpu.enqueue_dma source(%arg8 : memref<128x128xf32, #tpu.memory_space<vmem>>) target(%dma_start3A_173 : memref<128x128xf32, #tpu.memory_space<hbm>>) target_semaphore(%arg14 : memref<!tpu.dma_semaphore, #tpu.memory_space<semaphore_mem>>)
    %dma_wait3A_174 = arith.constant 896 : i32
    %dma_wait3A_175 = tpu.memref_slice %arg6[%dma_wait3A_174] : memref<1024xi32, #tpu.memory_space<vmem>> -> memref<128xi32, #tpu.memory_space<vmem>>
    %dma_wait3A_176 = arith.constant 0 : i32
    %dma_wait3A_177 = arith.constant 0 : i32
    %dma_wait3A_178 = tpu.memref_slice %arg3[%dma_wait3A_176, %dma_wait3A_177] : memref<4096x128xf32, #tpu.memory_space<hbm>> -> memref<4096x128xf32, #tpu.memory_space<hbm>>
    tpu.wait_indirect_dma semaphore(%arg12 : memref<!tpu.dma_semaphore, #tpu.memory_space<semaphore_mem>>) src(%dma_wait3A_178 : memref<4096x128xf32, #tpu.memory_space<hbm>>) dst(%arg9 : memref<128x128xf32, #tpu.memory_space<vmem>>)
    %add3A_179 = arith.constant 896 : i32
    %add3A_180 = arith.addi %mul3A_38, %add3A_179 : i32
    %dma_start3A_181 = arith.constant 0 : i32
    %dma_start3A_182 = tpu.memref_slice %arg4[%add3A_180, %dma_start3A_181] : memref<32768x128xf32, #tpu.memory_space<hbm>> -> memref<128x128xf32, #tpu.memory_space<hbm>>
    %dma_start3A_183 = arith.constant 0 : i32
    %dma_start3A_184 = tpu.memref_slice %arg4[%add3A_180, %dma_start3A_183] : memref<32768x128xf32, #tpu.memory_space<hbm>> -> memref<128x128xf32, #tpu.memory_space<hbm>>
    tpu.enqueue_dma source(%arg9 : memref<128x128xf32, #tpu.memory_space<vmem>>) target(%dma_start3A_184 : memref<128x128xf32, #tpu.memory_space<hbm>>) target_semaphore(%arg15 : memref<!tpu.dma_semaphore, #tpu.memory_space<semaphore_mem>>)
    %dma_wait3A_185 = arith.constant 0 : i32
    %dma_wait3A_186 = tpu.memref_slice %arg4[%add3A_169, %dma_wait3A_185] : memref<32768x128xf32, #tpu.memory_space<hbm>> -> memref<128x128xf32, #tpu.memory_space<hbm>>
    %dma_wait3A_187 = arith.constant 0 : i32
    %dma_wait3A_188 = tpu.memref_slice %arg4[%add3A_169, %dma_wait3A_187] : memref<32768x128xf32, #tpu.memory_space<hbm>> -> memref<128x128xf32, #tpu.memory_space<hbm>>
    tpu.wait_dma2 semaphore(%arg14 : memref<!tpu.dma_semaphore, #tpu.memory_space<semaphore_mem>>) src(%arg8 : memref<128x128xf32, #tpu.memory_space<vmem>>) dst(%dma_wait3A_188 : memref<128x128xf32, #tpu.memory_space<hbm>>)
    %dma_wait3A_189 = arith.constant 0 : i32
    %dma_wait3A_190 = tpu.memref_slice %arg4[%add3A_180, %dma_wait3A_189] : memref<32768x128xf32, #tpu.memory_space<hbm>> -> memref<128x128xf32, #tpu.memory_space<hbm>>
    %dma_wait3A_191 = arith.constant 0 : i32
    %dma_wait3A_192 = tpu.memref_slice %arg4[%add3A_180, %dma_wait3A_191] : memref<32768x128xf32, #tpu.memory_space<hbm>> -> memref<128x128xf32, #tpu.memory_space<hbm>>
    tpu.wait_dma2 semaphore(%arg15 : memref<!tpu.dma_semaphore, #tpu.memory_space<semaphore_mem>>) src(%arg9 : memref<128x128xf32, #tpu.memory_space<vmem>>) dst(%dma_wait3A_192 : memref<128x128xf32, #tpu.memory_space<hbm>>)
    %dma_wait3A_193 = arith.constant 0 : i32
    %dma_wait3A_194 = tpu.memref_slice %arg4[%add3A_149, %dma_wait3A_193] : memref<32768x128xf32, #tpu.memory_space<hbm>> -> memref<128x128xf32, #tpu.memory_space<hbm>>
    %dma_wait3A_195 = arith.constant 0 : i32
    %dma_wait3A_196 = tpu.memref_slice %arg4[%add3A_149, %dma_wait3A_195] : memref<32768x128xf32, #tpu.memory_space<hbm>> -> memref<128x128xf32, #tpu.memory_space<hbm>>
    tpu.wait_dma2 semaphore(%arg16 : memref<!tpu.dma_semaphore, #tpu.memory_space<semaphore_mem>>) src(%arg10 : memref<128x128xf32, #tpu.memory_space<vmem>>) dst(%dma_wait3A_196 : memref<128x128xf32, #tpu.memory_space<hbm>>)
    return
  }
}

</mosaic_0001>

<sc_bundles>
// kernel: kernel.4.cloned.1.call-start
scs
__scs_entry_jumppad:
0x0: {  	(pc) =	sbr.rel $0x88, $3  }
0x1: {  	(tag) =	ssettag $0x0;
	lr =	simm.s32 $0x1  }
0x2: {  	[smem:$0x3F9E] =	sst lr;
	_ =	strace $0xD0000000  }
0x3: {  	_ = 	snop  }
0x4: {  	_ = 	snop  }
0x5: {  	_ = 	snop  }
0x6: {  	_ = 	snop  }
0x7: {  	_ = 	snop  }
__scs_overlays_trampoline_lowered:
0x8: {  	[smem:$0x3FAD] =	sst s0  }
0x9: {  	[smem:$0x3FAE] =	sst s1  }
0xa: {  	[smem:$0x3FAF] =	sst s2  }
0xb: {  	[smem:$0x3FB0] =	sst s3  }
0xc: {  	[smem:$0x3FB1] =	sst s4  }
0xd: {  	[smem:$0x3FB2] =	sst s5  }
0xe: {  	[smem:$0x3FB3] =	sst s6  }
0xf: {  	[smem:$0x3FB4] =	sst s7  }
0x10: {  	[smem:$0x3FB5] =	sst s8  }
0x11: {  	[smem:$0x3FB6] =	sst s9;
	s0 =	simm.s32 @!p0 $0x0  }
0x12: {  	s1 =	sld [smem:$0x3F9C];
	s0 =	simm.s32 @p0 $0x1  }
0x13: {  	[smem:$0x3FB7] =	sst s0;
	s0 =	simm.s32 @!p1 $0x0  }
0x14: {  	s2 =	sld [smem:$0x3F9B];
	s0 =	simm.s32 @p1 $0x1  }
0x15: {  	[smem:$0x3FB8] =	sst s0;
	s0 =	simm.s32 @!p2 $0x0  }
0x16: {  	s3 =	sld [smem:$0x3FDB];
	s0 =	simm.s32 @p2 $0x1  }
0x17: {  	s4 =	simm.s32 $0x1BF5;
	[smem:$0x3FBA] =	sst s0  }
0x18: {  	s0 =	sld [smem:$0x3F9D];
	_ =	swait.ge [sflag:s4], $0x0  }
0x19: {  	s7 =	sld [smem:$0x3F9E]  }
0x1a: {  	s8 =	sadd.s32 $0xFFFFE003, lr  }
0x1b: {  	s9 =	sadd.s32 $0xFFFFFEF7, lr;
	s5 =	simm.s32 $0xFFFFFFFF;
	p2 =	slt.u32 s8, $0xFFFFF086  }
0x1c: {  	p1 =	slt.u32 s9, $0xF7A;
	s5 =	simm.s32 @!p2 $0x0  }
0x1d: {  	s5 =	simm.s32 @p1 $0x1;
	p0 =	seq.s32 s7, s2  }
0x1e: {  	s7 =	smul.u32 @!p0 $0xF7A, s2;
	p2 =	seq.s32 @!p0 s5, $0x0  }
0x1f: {  	s9 =	smul.u32 $0xF7A, s1;
	s8 =	simm.s32 @!p0 $0x1BF5;
	p2 =	por !p2, p0  }
0x20: {  	[sflag:s8] =	ssyncset.s32 @!p0 $0xFFFFF086;
	s6 =	sadd.s32 @!p0 s3, s7;
	s7 =	simm.s32 @!p0 $0x108  }
0x21: {  	s3 =	sadd.s32 s3, s9;
	s6 =	sadd.s32 @!p0 $0x88, s6;
	s7 =	simm.s32 @p2 $0x1082  }
0x22: {  	[simem:s7], [sflag:s8] =	dma.local @!p0 [hbm:s6], $0xF7A  }
0x23: {  	s9 =	sor.u32 $0xD0000000, s2;
	s6 =	simm.s32 $0x108;
	_ =	swait.ge @!p0 [sflag:s8], $0x0  }
0x24: {  	s3 =	sadd.s32 $0x88, s3;
	s6 =	simm.s32 @!p1 $0x1082;
	[sflag:s4] =	ssyncset.s32 $0xFFFFF086  }
0x25: {  	[simem:s6], [sflag:s4] =	dma.local [hbm:s3], $0xF7A  }
0x26: {  	[smem:$0x3F9E] =	sst s1;
	(tag) =	ssettag s2;
	_ =	strace s9  }
0x27: {  	s1 =	sld [smem:$0x3FAE]  }
0x28: {  	s2 =	sld [smem:$0x3FAF]  }
0x29: {  	s4 =	sld [smem:$0x3FB1]  }
0x2a: {  	p0 =	seq.s32 s5, $0x0;
	s5 =	sld [smem:$0x3FB2]  }
0x2b: {  	s6 =	sld [smem:$0x3FB3]  }
0x2c: {  	s7 =	sld [smem:$0x3FB4]  }
0x2d: {  	s3 =	simm.s32 $0x108;
	s8 =	sld [smem:$0x3FB5]  }
0x2e: {  	s3 =	simm.s32 @!p0 $0x1082;
	s9 =	sld [smem:$0x3FB6]  }
0x2f: {  	lr =	sadd.s32 s0, s3;
	s0 =	sld [smem:$0x3FAD]  }
0x30: {  	s3 =	sld [smem:$0x3FB0]  }
0x31: {  	[smem:$0x3FB9] =	sst s10  }
0x32: {  	s10 =	sld [smem:$0x3FB7];
	_ =	sdelay $0x3  }
0x33: {  	p0 =	seq.s32 s10, $0x1;
	s10 =	sld [smem:$0x3FB9];
	_ =	sdelay $0x3  }
0x34: {  	[smem:$0x3FB9] =	sst s10  }
0x35: {  	s10 =	sld [smem:$0x3FB8];
	_ =	sdelay $0x3  }
0x36: {  	p1 =	seq.s32 s10, $0x1;
	s10 =	sld [smem:$0x3FB9];
	_ =	sdelay $0x3  }
0x37: {  	[smem:$0x3FB9] =	sst s10  }
0x38: {  	s10 =	sld [smem:$0x3FBA]  }
0x39: {  	_ = 	snop;
	(pc) =	sbr.ind lr, $3  }
0x3a: {  	_ = 	snop  }
0x3b: {  	_ = 	snop  }
0x3c: {  	p2 =	seq.s32 s10, $0x1;
	s10 =	sld [smem:$0x3FB9]  }
0x3d: {  	_ =	shalt  }
0x3e: {  	_ =	shalt  }
0x3f: {  	_ =	shalt  }
0x40: {  	_ =	shalt  }
0x41: {  	_ =	shalt  }
0x42: {  	_ =	shalt  }
0x43: {  	_ =	shalt  }
0x44: {  	_ =	shalt  }
0x45: {  	_ =	shalt  }
0x46: {  	_ =	shalt  }
0x47: {  	_ =	shalt  }
0x48: {  	_ =	shalt  }
0x49: {  	_ =	shalt  }
0x4a: {  	_ =	shalt  }
0x4b: {  	_ =	shalt  }
0x4c: {  	_ =	shalt  }
0x4d: {  	_ =	shalt  }
0x4e: {  	_ =	shalt  }
0x4f: {  	_ =	shalt  }
0x50: {  	_ =	shalt  }
0x51: {  	_ =	shalt  }
0x52: {  	_ =	shalt  }
0x53: {  	_ =	shalt  }
0x54: {  	_ =	shalt  }
0x55: {  	_ =	shalt  }
0x56: {  	_ =	shalt  }
0x57: {  	_ =	shalt  }
0x58: {  	_ =	shalt  }
0x59: {  	_ =	shalt  }
0x5a: {  	_ =	shalt  }
0x5b: {  	_ =	shalt  }
0x5c: {  	_ =	shalt  }
0x5d: {  	_ =	shalt  }
0x5e: {  	_ =	shalt  }
0x5f: {  	_ =	shalt  }
0x60: {  	_ =	shalt  }
0x61: {  	_ =	shalt  }
0x62: {  	_ =	shalt  }
0x63: {  	_ =	shalt  }
0x64: {  	_ =	shalt  }
0x65: {  	_ =	shalt  }
0x66: {  	_ =	shalt  }
0x67: {  	_ =	shalt  }
0x68: {  	_ =	shalt  }
0x69: {  	_ =	shalt  }
0x6a: {  	_ =	shalt  }
0x6b: {  	_ =	shalt  }
0x6c: {  	_ =	shalt  }
0x6d: {  	_ =	shalt  }
0x6e: {  	_ =	shalt  }
0x6f: {  	_ =	shalt  }
0x70: {  	_ =	shalt  }
0x71: {  	_ =	shalt  }
0x72: {  	_ =	shalt  }
0x73: {  	_ =	shalt  }
0x74: {  	_ =	shalt  }
0x75: {  	_ =	shalt  }
0x76: {  	_ =	shalt  }
0x77: {  	_ =	shalt  }
0x78: {  	_ =	shalt  }
0x79: {  	_ =	shalt  }
0x7a: {  	_ =	shalt  }
0x7b: {  	_ =	shalt  }
0x7c: {  	_ =	shalt  }
0x7d: {  	_ =	shalt  }
0x7e: {  	_ =	shalt  }
0x7f: {  	_ =	shalt  }
0x80: {  	_ =	shalt  }
0x81: {  	_ =	shalt  }
0x82: {  	_ =	shalt  }
0x83: {  	_ =	shalt  }
0x84: {  	_ =	shalt  }
0x85: {  	_ =	shalt  }
0x86: {  	_ =	shalt  }
0x87: {  	_ =	shalt  }
.Lfunc_end0:
.L_simem_size_0:
called_computation_lowered:
.L_overlay_start_0:
0x88: {  	s2 =	sld [smem:$0x3FD9]  }
0x89: {  	s3 =	sld [smem:$0x3FFE];
	_ =	sdelay $0x1  }
0x8a: {  	s1 =	srdreg.scid  }
0x8b: {  	s0 =	sand.u32 $0x1, s1  }
0x8c: {  	s17 =	sshll.u32 s0, $0xA;
	s2 =	sadd.s32 s3, s2  }
0x8d: {  	s2 =	sadd.s32 s2, s17  }
0x8e: {  	[smem:$0x3FC5] =	sst s2  }
0x8f: {  	_ = 	snop  }
0x90: {  	s2 =	sld [smem:$0x3FC8]  }
0x91: {  	s18 =	sld [smem:$0x3FC7];
	(tm) =	ssettm $0x1  }
0x92: {  	s4 =	sld [smem:$0x3FFB];
	_ =	sdelay $0x3  }
0x93: {  	_ =	strace s4  }
0x94: {  	s4 =	sld [smem:$0x3FFC];
	_ =	sdelay $0x3  }
0x95: {  	_ =	strace s4  }
0x96: {  	s4 =	sld [smem:$0x3FFD];
	_ =	sdelay $0x3  }
0x97: {  	_ =	strace s4  }
0x98: {  	_ =	strace $0x8FFFFFFF  }
0x99: {  	s19 =	sld [smem:$0x3FDB];
	_ =	sdelay $0x1  }
0x9a: {  	s5 =	simm.s32 $_scs_section_size  }
0x9b: {  	s6 =	simm.s32 $_size__tile_overlayer_lowered;
	s7 =	simm.s32 $_tile_overlayer_lowered  }
0x9c: {  	s22 =	simm.s32 $0x1BFF;
	s21 =	sshll.u32 s7, $0x1;
	s4 =	sadd.s32 s5, s19  }
0x9d: {  	s8 =	simm.s32 $0x0;
	s20 =	sshll.u32 s6, $0x1;
	s6 =	sadd.s32 s21, s4  }
0x9e: {  	[timem:s8], [sflag:s22] =	dma.local [hbm:s6], s20  }
0x9f: {  	_ =	swait.ge [sflag:s22], s20  }
0xa0: {  	s5 =	ssub.s32 $0x0, s20;
	[sflag:s22] =	ssyncset.done $0x0  }
0xa1: {  	[sflag:s22] =	ssyncadd.s32 s5;
	_ =	sdelay $0x1  }
0xa2: {  	s23 =	simm.s32 $0x1B8B  }
0xa3: {  	_ =	swait.ge [sflag:s23], $0x1  }
0xa4: {  	[sflag:s23] =	ssyncset.done $0x0  }
0xa5: {  	s25 =	simm.s32 $0x1B8E;
	s24 =	sld [smem:$0x3FFE];
	[sflag:s23] =	ssyncadd.s32 $0xFFFFFFFF  }
0xa6: {  	s26 =	simm.s32 $execute0_lowered;
	[smem:$0x3FD2] =	sst s25  }
0xa7: {  	s6 =	sshll.u32 s26, $0x1;
	_ =	strace $0x80000046;
	[dreg:$0x1] =	wrdreg $0xFFFFFFFF  }
0xa8: {  	s28 =	simm.s32 $_size_execute0_lowered;
	s4 =	sadd.s32 s4, s6;
	[dreg:$0x0] =	wrdreg $0x0  }
0xa9: {  	s6 =	sshll.u32 s28, $0x1;
	[dreg:$0x2] =	wrdreg s4  }
0xaa: {  	[dreg:$0x3] =	wrdreg s6  }
0xab: {  	[dreg:$0x4] =	wrdreg $0xC0  }
0xac: {  	_ =	task [dreg:s8], $0x5FFFF  }
0xad: {  	[dreg:$0x1] =	wrdreg $0xFFFFFFFF  }
0xae: {  	[dreg:$0x0] =	wrdreg $0x60  }
0xaf: {  	[dreg:$0x2] =	wrdreg s2  }
0xb0: {  	[dreg:$0x3] =	wrdreg s18  }
0xb1: {  	[dreg:$0x4] =	wrdreg s24  }
0xb2: {  	[dreg:$0x5] =	wrdreg $0x9  }
0xb3: {  	_ =	task.clear_ibuf [dreg:s8], $0x6FFFF;
	_ =	strace $0x90000046  }
0xb4: {  	s29 =	simm.s32 $0x9;
	_ =	strace $0x80000048  }
0xb5: {  	_ =	swait.ge [sflag:s29], $0x1  }
0xb6: {  	[sflag:s29] =	ssyncadd.s32 $0xFFFFFFFF  }
0xb7: {  	_ =	strace $0x90000048  }
0xb8: {  	_ =	sfence  }
0xb9: {  	s30 =	sld [smem:$0x0];
	_ =	sdelay $0x2  }
0xba: {  	s31 =	sshll.u32 s1, $0xD;
	s1 =	sshrl.u32 s1, $0x2  }
0xbb: {  	s3 =	sand.u32 $0x4000, s31;
	s1 =	sadd.s32 s1, s30  }
0xbc: {  	s0 =	sor.u32 s3, s0;
	s1 =	sshll.u32 s1, $0x11  }
0xbd: {  	s0 =	sor.u32 s1, s0  }
0xbe: {  	s0 =	sadd.s32 $0x8F2B, s0  }
0xbf: {  	[sflag:s0] =	ssyncadd.remote.s32 $0x1  }
0xc0: {  	_ =	sfence.sel $0xFFFF  }
0xc1: {  	[dreg:$0x0] =	wrdreg $0xFFFFFFFF;
	(pc) =	sbr.abs _section_cstart, $3  }
0xc2: {  	[dreg:$0x1] =	wrdreg $0xFFFFFFFF  }
0xc3: {  	_ =	task.clear_ibuf [dreg:s8], $0x2FFFF;
	_ =	strace $0x9FFFFFFF  }
0xc4: {  	(tm) =	ssettm $0x7FFFFFFF  }
0xc5: {  	_ =	shalt  }
tec
execute0_lowered:
.L_overlay_start_1:
0x0: {  	(tag) =	ssettag $0x1  }
0x1: {  	s4 =	rddreg [dreg:$0x0]  }
0x2: {  	s1 =	rddreg [dreg:$0x1]  }
0x3: {  	s5 =	rddreg [dreg:$0x2]  }
0x4: {  	s0 =	rddreg [dreg:$0x3];
	s2 =	simm.s32 $0x0;
	s3 =	srdreg.scid  }
0x5: {  	s15 =	simm.s32 $0x1;
	s16 =	simm.s32 $0x0;
	[smem:$0x7FF] =	sst s2  }
0x6: {  	s6 =	sand.u32 $0x1, s3;
	s3 =	stileid.u32;
	s12 =	sadd.s32 $0xA00, s5  }
0x7: {  	s14 =	sadd.s32 $0xC00, s5;
	_ =	strace $0x80000047;
	s7 =	ssub.s32 $0x2, s6  }
0x8: {  	s9 =	sshll.u32 s3, $0x1;
	s30 =	sshll.u32 s3, $0x6;
	s8 =	sshrl.u32 s7, $0x1  }
0x9: {  	p0 =	slt.u32 s3, $0x8;
	s6 =	sor.u32 s6, s9;
	s7 =	ssub.s32 s7, s8  }
0xa: {  	s13 =	sshll.u32 s6, $0xA;
	s8 =	sand.u32 $0x180, s30;
	s6 =	sshll.u32 s6, $0x5  }
.Ltmp0:
0xb: {  	s31 =	sand.u32 $0x60, s6;
	s4 =	sadd.s32 s4, s8;
	(pc) =	sbr.rel .LBB2_1-.Ltmp0, $4  }
0xc: {  	s5 =	sadd.s32 s12, s13;
	s6 =	smax.u32 s7, $0x1;
	s11 =	sadd.s32 s13, s14  }
0xd: {  	s13 =	sor.u32 $0x8000, s13;
	s4 =	sadd.s32 s31, s4;
	s7 =	sadd.s32 $0x8000, s5  }
0xe: {  	s9 =	sadd.s32 $0x200, s5;
	s10 =	sadd.s32 $0x8200, s5;
	s12 =	sadd.s32 s12, s13  }
0xf: {  	s13 =	sadd.s32 s13, s14;
	s14 =	simm.s32 $0x3;
	s8 =	sadd.s32 $0x10, s4  }
.LBB2_2:
0x10: {  	[tilespmem:s2], [sflag:$0x3] =	stream.linear.gather [hbm4b:s1+s2], $0x1000, $0x38;
	[tilespmem:$0x1000] =	vst v63  }
0x11: {  	_ =	swait.ge [sflag:s14], $0x1000  }
0x12: {  	[sflag:s14] =	ssyncset.done $0x0  }
0x13: {  	[sflag:s14] =	ssyncadd.s32 $0xFFFFF000  }
0x14: {  	[hbm4b:s5+s2] =	stream.linear.scatter [tilespmem:s2], [sflag:$0x1], $0x1000, $0x38;
	[tilespmem:$0x1000] =	vst v63  }
0x15: {  	_ = 	snop  }
0x16: {  	[hbm4b:s11+s2] =	stream.linear.scatter [tilespmem:s2], [sflag:$0x2], $0x1000, $0x38;
	[tilespmem:$0x1000] =	vst v63  }
0x17: {  	_ =	swait.ge [sflag:s15], $0x1000  }
0x18: {  	[sflag:s15] =	ssyncset.done $0x0  }
0x19: {  	s17 =	simm.s32 $0x2;
	[sflag:s15] =	ssyncadd.s32 $0xFFFFF000  }
0x1a: {  	_ =	swait.ge [sflag:s17], $0x1000  }
0x1b: {  	[sflag:s17] =	ssyncset.done $0x0  }
0x1c: {  	[sflag:s17] =	ssyncadd.s32 $0xFFFFF000  }
0x1d: {  	[hbm4b:s12+s2] =	stream.linear.scatter [tilespmem:s2], [sflag:$0x1], $0x1000, $0x38;
	[tilespmem:$0x1000] =	vst v63  }
0x1e: {  	_ = 	snop  }
0x1f: {  	[hbm4b:s13+s2] =	stream.linear.scatter [tilespmem:s2], [sflag:$0x2], $0x1000, $0x38;
	[tilespmem:$0x1000] =	vst v63  }
0x20: {  	_ =	swait.ge [sflag:s15], $0x1000  }
0x21: {  	[sflag:s15] =	ssyncset.done $0x0  }
0x22: {  	[sflag:s15] =	ssyncadd.s32 $0xFFFFF000  }
.LBB2_8:
0x23: {  	s16 =	sadd.s32 $0x1, s16  }
0x24: {  	p1 =	sne.s32 s16, s6  }
.Ltmp1:
0x25: {  	_ = 	snop;
	(pc) =	sbr.rel @!p1 .LBB2_9-.Ltmp1, $4  }
0x26: {  	_ = 	snop  }
0x27: {  	_ =	swait.ge [sflag:s17], $0x1000  }
0x28: {  	[sflag:s17] =	ssyncset.done $0x0  }
0x29: {  	[sflag:s17] =	ssyncadd.s32 $0xFFFFF000  }
.LBB2_1:
.Ltmp2:
0x2a: {  	(pc) =	sbr.rel @!p0 .LBB2_2-.Ltmp2, $1  }
0x2b: {  	_ =	sdelay $0x3  }
0x2c: {  	s17 =	simm.s32 $0x0  }
0x2d: {  	[tilespmem:s17], [sflag:$0x3] =	stream.linear.gather [hbm4b:s4+s17], $0x80, $0x38;
	[tilespmem:$0x1000] =	vst v63  }
0x2e: {  	_ =	swait.ge [sflag:s14], $0x80  }
0x2f: {  	[sflag:s14] =	ssyncset.done $0x0  }
0x30: {  	[sflag:s14] =	ssyncadd.s32 $0xFFFFFF80  }
0x31: {  	v0 =	vld [tilespmem:$0x0]  }
0x32: {  	v1 =	vld [tilespmem:$0x10]  }
0x33: {  	v2 =	vld [tilespmem:$0x20]  }
0x34: {  	v7 =	vld [tilespmem:$0x70]  }
0x35: {  	v3 =	vld [tilespmem:$0x30]  }
0x36: {  	v4 =	vld [tilespmem:$0x40]  }
0x37: {  	v5 =	vld [tilespmem:$0x50]  }
0x38: {  	s18 =	simm.s32 $0x200;
	s17 =	simm.s32 $0x0;
	v6 =	vld [tilespmem:$0x60]  }
.LBB2_4:
0x39: {  	p1 =	seq.s32 s18, $0x3C00;
	[tilespmem:s17+$0xF0] =	vst v7  }
0x3a: {  	[tilespmem:s17+$0x80] =	vst v0  }
0x3b: {  	[tilespmem:s17+$0x90] =	vst v1  }
.Ltmp3:
0x3c: {  	[tilespmem:s17+$0xA0] =	vst v2;
	(pc) =	sbr.rel @!p1 .LBB2_4-.Ltmp3, $4  }
0x3d: {  	[tilespmem:s17+$0xB0] =	vst v3  }
0x3e: {  	[tilespmem:s17+$0xC0] =	vst v4  }
0x3f: {  	[tilespmem:s17+$0xD0] =	vst v5  }
0x40: {  	[tilespmem:s17+$0xE0] =	vst v6;
	s17 =	sshra.s32 s18, $0x2;
	s18 =	sadd.s32 $0x200, s18  }
0x41: {  	[tilespmem:s17+$0xF0] =	vst v7  }
0x42: {  	[tilespmem:s17+$0x80] =	vst v0  }
0x43: {  	[tilespmem:s17+$0x90] =	vst v1  }
0x44: {  	[tilespmem:s17+$0xA0] =	vst v2  }
0x45: {  	[tilespmem:s17+$0xB0] =	vst v3  }
0x46: {  	[tilespmem:s17+$0xC0] =	vst v4  }
0x47: {  	[tilespmem:s17+$0xD0] =	vst v5  }
0x48: {  	[tilespmem:s17+$0xE0] =	vst v6;
	s31 =	simm.s32 $0x0  }
0x49: {  	[hbm4b:s5+s31] =	stream.linear.scatter [tilespmem:s31], [sflag:$0x3], $0x1000, $0x38;
	[tilespmem:$0x1000] =	vst v63  }
0x4a: {  	_ =	swait.ge [sflag:s14], $0x1000  }
0x4b: {  	[sflag:s14] =	ssyncset.done $0x0  }
0x4c: {  	[sflag:s14] =	ssyncadd.s32 $0xFFFFF000  }
0x4d: {  	[hbm4b:s7+s31] =	stream.linear.scatter [tilespmem:s31], [sflag:$0x3], $0x1000, $0x38;
	[tilespmem:$0x1000] =	vst v63  }
0x4e: {  	_ =	swait.ge [sflag:s14], $0x1000  }
0x4f: {  	[sflag:s14] =	ssyncset.done $0x0  }
0x50: {  	[sflag:s14] =	ssyncadd.s32 $0xFFFFF000  }
0x51: {  	[tilespmem:s31], [sflag:$0x3] =	stream.linear.gather [hbm4b:s8+s31], $0x80, $0x38;
	[tilespmem:$0x1000] =	vst v63  }
0x52: {  	_ =	swait.ge [sflag:s14], $0x80  }
0x53: {  	[sflag:s14] =	ssyncset.done $0x0  }
0x54: {  	[sflag:s14] =	ssyncadd.s32 $0xFFFFFF80  }
0x55: {  	v0 =	vld [tilespmem:$0x0]  }
0x56: {  	v1 =	vld [tilespmem:$0x10]  }
0x57: {  	v2 =	vld [tilespmem:$0x20]  }
0x58: {  	v7 =	vld [tilespmem:$0x70]  }
0x59: {  	v3 =	vld [tilespmem:$0x30]  }
0x5a: {  	v4 =	vld [tilespmem:$0x40]  }
0x5b: {  	v5 =	vld [tilespmem:$0x50]  }
0x5c: {  	s17 =	simm.s32 $0x0;
	s18 =	simm.s32 $0x200;
	v6 =	vld [tilespmem:$0x60]  }
.LBB2_6:
0x5d: {  	p1 =	sne.s32 s18, $0x3C00;
	[tilespmem:s17+$0xF0] =	vst v7  }
0x5e: {  	[tilespmem:s17+$0x80] =	vst v0  }
0x5f: {  	[tilespmem:s17+$0x90] =	vst v1  }
.Ltmp4:
0x60: {  	[tilespmem:s17+$0xA0] =	vst v2;
	(pc) =	sbr.rel @p1 .LBB2_6-.Ltmp4, $4  }
0x61: {  	[tilespmem:s17+$0xB0] =	vst v3  }
0x62: {  	[tilespmem:s17+$0xC0] =	vst v4  }
0x63: {  	[tilespmem:s17+$0xD0] =	vst v5  }
0x64: {  	[tilespmem:s17+$0xE0] =	vst v6;
	s17 =	sshra.s32 s18, $0x2;
	s18 =	sadd.s32 $0x200, s18  }
0x65: {  	[tilespmem:s17+$0xF0] =	vst v7  }
0x66: {  	[tilespmem:s17+$0x80] =	vst v0  }
0x67: {  	[tilespmem:s17+$0x90] =	vst v1  }
0x68: {  	[tilespmem:s17+$0xA0] =	vst v2  }
0x69: {  	[tilespmem:s17+$0xB0] =	vst v3  }
0x6a: {  	[tilespmem:s17+$0xC0] =	vst v4  }
0x6b: {  	[tilespmem:s17+$0xD0] =	vst v5  }
0x6c: {  	[tilespmem:s17+$0xE0] =	vst v6  }
0x6d: {  	[hbm4b:s9+s2] =	stream.linear.scatter [tilespmem:s2], [sflag:$0x3], $0x1000, $0x38;
	[tilespmem:$0x1000] =	vst v63  }
.Ltmp5:
0x6e: {  	s17 =	simm.s32 $0x3;
	(pc) =	sbr.rel .LBB2_8-.Ltmp5, $4  }
0x6f: {  	_ =	swait.ge [sflag:s17], $0x1000  }
0x70: {  	[sflag:s17] =	ssyncset.done $0x0  }
0x71: {  	[sflag:s17] =	ssyncadd.s32 $0xFFFFF000  }
0x72: {  	[hbm4b:s10+s2] =	stream.linear.scatter [tilespmem:s2], [sflag:$0x3], $0x1000, $0x38;
	[tilespmem:$0x1000] =	vst v63  }
.LBB2_9:
0x73: {  	_ =	sfence.sel $0x180000  }
0x74: {  	[bflag:$0x0] =	sbarrier.arrive $0xFFFF  }
0x75: {  	p0 =	sne.s32 s3, $0x0;
	_ =	strace $0x90000047  }
0x76: {  	s0 =	sadd.s32 @!p0 $0x100000, s0;
	[bflag:$0x2] =	sbarrier.arrive $0xFFFF  }
0x77: {  	[sflag:s0] =	ssyncadd.tile.s32 @!p0 $0x1;
	_ =	shalt  }
.Lfunc_end2:
_tile_overlayer_lowered:
.L_overlay_start_2:
0x78: {  	(tag) =	ssettag $0x2  }
0x79: {  	s0 =	rddreg [dreg:$0x0];
	s2 =	stileid.u32  }
0x7a: {  	s1 =	rddreg [dreg:$0x1];
	p0 =	sne.s32 s2, $0x0  }
0x7b: {  	s3 =	rddreg [dreg:$0x2];
	[bflag:$0x3] =	sbarrier.arrive $0xFFFF;
	s2 =	simm.s32 @!p0 $0x1C03  }
0x7c: {  	[timem:s3], [sflag:s2] =	dma.local @!p0 [hbm:s0], s1  }
0x7d: {  	s0 =	simm.s32 @!p0 $0x3  }
0x7e: {  	_ =	swait.ge @!p0 [sflag:s0], s1  }
0x7f: {  	s1 =	ssub.s32 @!p0 $0x0, s1;
	[sflag:s0] =	ssyncset.done @!p0 $0x0  }
0x80: {  	[sflag:s0] =	ssyncadd.s32 @!p0 s1  }
0x81: {  	[bflag:$0x3] =	sbarrier.arrive $0xFFFF  }
0x82: {  	_ =	shalt  }

// kernel: kernel.7.cloned.1.call-start
scs
__scs_entry_jumppad:
0x0: {  	(pc) =	sbr.rel $0x88, $3  }
0x1: {  	(tag) =	ssettag $0x0;
	lr =	simm.s32 $0x1  }
0x2: {  	[smem:$0x3F9E] =	sst lr;
	_ =	strace $0xD0000000  }
0x3: {  	_ = 	snop  }
0x4: {  	_ = 	snop  }
0x5: {  	_ = 	snop  }
0x6: {  	_ = 	snop  }
0x7: {  	_ = 	snop  }
__scs_overlays_trampoline_lowered:
0x8: {  	[smem:$0x3FAD] =	sst s0  }
0x9: {  	[smem:$0x3FAE] =	sst s1  }
0xa: {  	[smem:$0x3FAF] =	sst s2  }
0xb: {  	[smem:$0x3FB0] =	sst s3  }
0xc: {  	[smem:$0x3FB1] =	sst s4  }
0xd: {  	[smem:$0x3FB2] =	sst s5  }
0xe: {  	[smem:$0x3FB3] =	sst s6  }
0xf: {  	[smem:$0x3FB4] =	sst s7  }
0x10: {  	[smem:$0x3FB5] =	sst s8  }
0x11: {  	[smem:$0x3FB6] =	sst s9;
	s0 =	simm.s32 @!p0 $0x0  }
0x12: {  	s1 =	sld [smem:$0x3F9C];
	s0 =	simm.s32 @p0 $0x1  }
0x13: {  	[smem:$0x3FB7] =	sst s0;
	s0 =	simm.s32 @!p1 $0x0  }
0x14: {  	s2 =	sld [smem:$0x3F9B];
	s0 =	simm.s32 @p1 $0x1  }
0x15: {  	[smem:$0x3FB8] =	sst s0;
	s0 =	simm.s32 @!p2 $0x0  }
0x16: {  	s3 =	sld [smem:$0x3FDB];
	s0 =	simm.s32 @p2 $0x1  }
0x17: {  	s4 =	simm.s32 $0x1BF5;
	[smem:$0x3FBA] =	sst s0  }
0x18: {  	s0 =	sld [smem:$0x3F9D];
	_ =	swait.ge [sflag:s4], $0x0  }
0x19: {  	s7 =	sld [smem:$0x3F9E]  }
0x1a: {  	s8 =	sadd.s32 $0xFFFFE003, lr  }
0x1b: {  	s9 =	sadd.s32 $0xFFFFFEF7, lr;
	s5 =	simm.s32 $0xFFFFFFFF;
	p2 =	slt.u32 s8, $0xFFFFF086  }
0x1c: {  	p1 =	slt.u32 s9, $0xF7A;
	s5 =	simm.s32 @!p2 $0x0  }
0x1d: {  	s5 =	simm.s32 @p1 $0x1;
	p0 =	seq.s32 s7, s2  }
0x1e: {  	s7 =	smul.u32 @!p0 $0xF7A, s2;
	p2 =	seq.s32 @!p0 s5, $0x0  }
0x1f: {  	s9 =	smul.u32 $0xF7A, s1;
	s8 =	simm.s32 @!p0 $0x1BF5;
	p2 =	por !p2, p0  }
0x20: {  	[sflag:s8] =	ssyncset.s32 @!p0 $0xFFFFF086;
	s6 =	sadd.s32 @!p0 s3, s7;
	s7 =	simm.s32 @!p0 $0x108  }
0x21: {  	s3 =	sadd.s32 s3, s9;
	s6 =	sadd.s32 @!p0 $0x88, s6;
	s7 =	simm.s32 @p2 $0x1082  }
0x22: {  	[simem:s7], [sflag:s8] =	dma.local @!p0 [hbm:s6], $0xF7A  }
0x23: {  	s9 =	sor.u32 $0xD0000000, s2;
	s6 =	simm.s32 $0x108;
	_ =	swait.ge @!p0 [sflag:s8], $0x0  }
0x24: {  	s3 =	sadd.s32 $0x88, s3;
	s6 =	simm.s32 @!p1 $0x1082;
	[sflag:s4] =	ssyncset.s32 $0xFFFFF086  }
0x25: {  	[simem:s6], [sflag:s4] =	dma.local [hbm:s3], $0xF7A  }
0x26: {  	[smem:$0x3F9E] =	sst s1;
	(tag) =	ssettag s2;
	_ =	strace s9  }
0x27: {  	s1 =	sld [smem:$0x3FAE]  }
0x28: {  	s2 =	sld [smem:$0x3FAF]  }
0x29: {  	s4 =	sld [smem:$0x3FB1]  }
0x2a: {  	p0 =	seq.s32 s5, $0x0;
	s5 =	sld [smem:$0x3FB2]  }
0x2b: {  	s6 =	sld [smem:$0x3FB3]  }
0x2c: {  	s7 =	sld [smem:$0x3FB4]  }
0x2d: {  	s3 =	simm.s32 $0x108;
	s8 =	sld [smem:$0x3FB5]  }
0x2e: {  	s3 =	simm.s32 @!p0 $0x1082;
	s9 =	sld [smem:$0x3FB6]  }
0x2f: {  	lr =	sadd.s32 s0, s3;
	s0 =	sld [smem:$0x3FAD]  }
0x30: {  	s3 =	sld [smem:$0x3FB0]  }
0x31: {  	[smem:$0x3FB9] =	sst s10  }
0x32: {  	s10 =	sld [smem:$0x3FB7];
	_ =	sdelay $0x3  }
0x33: {  	p0 =	seq.s32 s10, $0x1;
	s10 =	sld [smem:$0x3FB9];
	_ =	sdelay $0x3  }
0x34: {  	[smem:$0x3FB9] =	sst s10  }
0x35: {  	s10 =	sld [smem:$0x3FB8];
	_ =	sdelay $0x3  }
0x36: {  	p1 =	seq.s32 s10, $0x1;
	s10 =	sld [smem:$0x3FB9];
	_ =	sdelay $0x3  }
0x37: {  	[smem:$0x3FB9] =	sst s10  }
0x38: {  	s10 =	sld [smem:$0x3FBA]  }
0x39: {  	_ = 	snop;
	(pc) =	sbr.ind lr, $3  }
0x3a: {  	_ = 	snop  }
0x3b: {  	_ = 	snop  }
0x3c: {  	p2 =	seq.s32 s10, $0x1;
	s10 =	sld [smem:$0x3FB9]  }
0x3d: {  	_ =	shalt  }
0x3e: {  	_ =	shalt  }
0x3f: {  	_ =	shalt  }
0x40: {  	_ =	shalt  }
0x41: {  	_ =	shalt  }
0x42: {  	_ =	shalt  }
0x43: {  	_ =	shalt  }
0x44: {  	_ =	shalt  }
0x45: {  	_ =	shalt  }
0x46: {  	_ =	shalt  }
0x47: {  	_ =	shalt  }
0x48: {  	_ =	shalt  }
0x49: {  	_ =	shalt  }
0x4a: {  	_ =	shalt  }
0x4b: {  	_ =	shalt  }
0x4c: {  	_ =	shalt  }
0x4d: {  	_ =	shalt  }
0x4e: {  	_ =	shalt  }
0x4f: {  	_ =	shalt  }
0x50: {  	_ =	shalt  }
0x51: {  	_ =	shalt  }
0x52: {  	_ =	shalt  }
0x53: {  	_ =	shalt  }
0x54: {  	_ =	shalt  }
0x55: {  	_ =	shalt  }
0x56: {  	_ =	shalt  }
0x57: {  	_ =	shalt  }
0x58: {  	_ =	shalt  }
0x59: {  	_ =	shalt  }
0x5a: {  	_ =	shalt  }
0x5b: {  	_ =	shalt  }
0x5c: {  	_ =	shalt  }
0x5d: {  	_ =	shalt  }
0x5e: {  	_ =	shalt  }
0x5f: {  	_ =	shalt  }
0x60: {  	_ =	shalt  }
0x61: {  	_ =	shalt  }
0x62: {  	_ =	shalt  }
0x63: {  	_ =	shalt  }
0x64: {  	_ =	shalt  }
0x65: {  	_ =	shalt  }
0x66: {  	_ =	shalt  }
0x67: {  	_ =	shalt  }
0x68: {  	_ =	shalt  }
0x69: {  	_ =	shalt  }
0x6a: {  	_ =	shalt  }
0x6b: {  	_ =	shalt  }
0x6c: {  	_ =	shalt  }
0x6d: {  	_ =	shalt  }
0x6e: {  	_ =	shalt  }
0x6f: {  	_ =	shalt  }
0x70: {  	_ =	shalt  }
0x71: {  	_ =	shalt  }
0x72: {  	_ =	shalt  }
0x73: {  	_ =	shalt  }
0x74: {  	_ =	shalt  }
0x75: {  	_ =	shalt  }
0x76: {  	_ =	shalt  }
0x77: {  	_ =	shalt  }
0x78: {  	_ =	shalt  }
0x79: {  	_ =	shalt  }
0x7a: {  	_ =	shalt  }
0x7b: {  	_ =	shalt  }
0x7c: {  	_ =	shalt  }
0x7d: {  	_ =	shalt  }
0x7e: {  	_ =	shalt  }
0x7f: {  	_ =	shalt  }
0x80: {  	_ =	shalt  }
0x81: {  	_ =	shalt  }
0x82: {  	_ =	shalt  }
0x83: {  	_ =	shalt  }
0x84: {  	_ =	shalt  }
0x85: {  	_ =	shalt  }
0x86: {  	_ =	shalt  }
0x87: {  	_ =	shalt  }
.Lfunc_end0:
.L_simem_size_0:
called_computation.1_lowered:
.L_overlay_start_0:
0x88: {  	s2 =	sld [smem:$0x3FD9]  }
0x89: {  	s3 =	sld [smem:$0x3FFE];
	_ =	sdelay $0x1  }
0x8a: {  	s1 =	srdreg.scid  }
0x8b: {  	s0 =	sand.u32 $0x1, s1  }
0x8c: {  	s17 =	sshll.u32 s0, $0xA;
	s2 =	sadd.s32 s3, s2  }
0x8d: {  	s2 =	sadd.s32 s2, s17  }
0x8e: {  	[smem:$0x3FC5] =	sst s2  }
0x8f: {  	_ = 	snop  }
0x90: {  	s2 =	sld [smem:$0x3FD0];
	(tm) =	ssettm $0x1  }
0x91: {  	s18 =	sld [smem:$0x3FFB];
	_ =	sdelay $0x3  }
0x92: {  	_ =	strace s18  }
0x93: {  	s3 =	sld [smem:$0x3FFC];
	_ =	sdelay $0x3  }
0x94: {  	_ =	strace s3  }
0x95: {  	s3 =	sld [smem:$0x3FFD];
	_ =	sdelay $0x3  }
0x96: {  	_ =	strace s3  }
0x97: {  	_ =	strace $0x8FFFFFFF  }
0x98: {  	s19 =	sld [smem:$0x3FDB];
	_ =	sdelay $0x1  }
0x99: {  	s4 =	simm.s32 $_scs_section_size  }
0x9a: {  	s5 =	simm.s32 $_size__tile_overlayer_lowered;
	s6 =	simm.s32 $_tile_overlayer_lowered  }
0x9b: {  	s22 =	simm.s32 $0x1BFF;
	s21 =	sshll.u32 s6, $0x1;
	s3 =	sadd.s32 s4, s19  }
0x9c: {  	s7 =	simm.s32 $0x0;
	s20 =	sshll.u32 s5, $0x1;
	s5 =	sadd.s32 s21, s3  }
0x9d: {  	[timem:s7], [sflag:s22] =	dma.local [hbm:s5], s20  }
0x9e: {  	_ =	swait.ge [sflag:s22], s20  }
0x9f: {  	s4 =	ssub.s32 $0x0, s20;
	[sflag:s22] =	ssyncset.done $0x0  }
0xa0: {  	[sflag:s22] =	ssyncadd.s32 s4;
	_ =	sdelay $0x1  }
0xa1: {  	s23 =	simm.s32 $0x1B8B  }
0xa2: {  	_ =	swait.ge [sflag:s23], $0x1  }
0xa3: {  	[sflag:s23] =	ssyncset.done $0x0  }
0xa4: {  	s25 =	simm.s32 $0x1B8E;
	s24 =	sld [smem:$0x3FFE];
	[sflag:s23] =	ssyncadd.s32 $0xFFFFFFFF  }
0xa5: {  	s26 =	simm.s32 $execute0_lowered;
	[smem:$0x3FD2] =	sst s25  }
0xa6: {  	s5 =	sshll.u32 s26, $0x1;
	_ =	strace $0x80000049;
	[dreg:$0x1] =	wrdreg $0xFFFFFFFF  }
0xa7: {  	s28 =	simm.s32 $_size_execute0_lowered;
	s3 =	sadd.s32 s3, s5;
	[dreg:$0x0] =	wrdreg $0x0  }
0xa8: {  	s5 =	sshll.u32 s28, $0x1;
	[dreg:$0x2] =	wrdreg s3  }
0xa9: {  	[dreg:$0x3] =	wrdreg s5  }
0xaa: {  	[dreg:$0x4] =	wrdreg $0xC0  }
0xab: {  	_ =	task [dreg:s7], $0x5FFFF  }
0xac: {  	[dreg:$0x1] =	wrdreg $0xFFFFFFFF  }
0xad: {  	[dreg:$0x0] =	wrdreg $0x60  }
0xae: {  	[dreg:$0x2] =	wrdreg s24  }
0xaf: {  	[dreg:$0x3] =	wrdreg s2  }
0xb0: {  	[dreg:$0x4] =	wrdreg $0x9  }
0xb1: {  	_ =	task.clear_ibuf [dreg:s7], $0x5FFFF;
	_ =	strace $0x90000049  }
0xb2: {  	s29 =	simm.s32 $0x9;
	_ =	strace $0x8000004B  }
0xb3: {  	_ =	swait.ge [sflag:s29], $0x1  }
0xb4: {  	[sflag:s29] =	ssyncadd.s32 $0xFFFFFFFF  }
0xb5: {  	_ =	strace $0x9000004B  }
0xb6: {  	_ =	sfence  }
0xb7: {  	s30 =	sld [smem:$0x0];
	_ =	sdelay $0x2  }
0xb8: {  	s31 =	sshll.u32 s1, $0xD;
	s1 =	sshrl.u32 s1, $0x2  }
0xb9: {  	s3 =	sand.u32 $0x4000, s31;
	s1 =	sadd.s32 s1, s30  }
0xba: {  	s0 =	sor.u32 s3, s0;
	s1 =	sshll.u32 s1, $0x11  }
0xbb: {  	s0 =	sor.u32 s1, s0  }
0xbc: {  	s0 =	sadd.s32 $0x8F2B, s0  }
0xbd: {  	[sflag:s0] =	ssyncadd.remote.s32 $0x1  }
0xbe: {  	_ =	sfence.sel $0xFFFF  }
0xbf: {  	[dreg:$0x0] =	wrdreg $0xFFFFFFFF;
	(pc) =	sbr.abs _section_cstart, $3  }
0xc0: {  	[dreg:$0x1] =	wrdreg $0xFFFFFFFF  }
0xc1: {  	_ =	task.clear_ibuf [dreg:s7], $0x2FFFF;
	_ =	strace $0x9FFFFFFF  }
0xc2: {  	(tm) =	ssettm $0x7FFFFFFF  }
0xc3: {  	_ =	shalt  }
tec
execute0_lowered:
.L_overlay_start_1:
0x0: {  	(tag) =	ssettag $0x1  }
0x1: {  	s0 =	rddreg [dreg:$0x0];
	s1 =	srdreg.scid  }
0x2: {  	s2 =	stileid.u32;
	s4 =	rddreg [dreg:$0x1];
	s15 =	simm.s32 $0x7  }
0x3: {  	s16 =	simm.s32 $0x80;
	s17 =	simm.s32 $0x8000;
	s18 =	simm.s32 $0x8400  }
0x4: {  	s20 =	simm.s32 $0xC400;
	s21 =	simm.s32 $0x1;
	s23 =	simm.s32 $0x10400  }
0x5: {  	s24 =	simm.s32 $0x2;
	s25 =	simm.s32 $0x4;
	s28 =	simm.s32 $0x3  }
0x6: {  	s29 =	simm.s32 $0x5;
	s31 =	simm.s32 $0x6;
	s22 =	simm.s32 $0x0  }
0x7: {  	s1 =	sand.u32 $0x1, s1;
	s3 =	sshll.u32 s2, $0x1;
	s2 =	simm.s32 $0x0  }
0x8: {  	v0 =	vlaneseq.u32;
	s5 =	sor.u32 s1, s3;
	[smem:$0x7FF] =	sst s2;
	s7 =	ssub.s32 $0x2, s1  }
0x9: {  	v1 =	vand.u32 $0x1, v0;
	s19 =	sshll.u32 s1, $0xB;
	s3 =	sshll.u32 s5, $0xD;
	_ =	strace $0x8000004A  }
0xa: {  	v1 =	vmul.u32 $0x400, v1;
	s30 =	sshrl.u32 s7, $0x1;
	s5 =	sshll.u32 s5, $0xE;
	s6 =	sadd.s32 s3, s0  }
0xb: {  	s3 =	sadd.s32 $0xA00, s0;
	s0 =	ssub.s32 s7, s30;
	s4 =	sadd.s32 s4, s5  }
0xc: {  	v2 =	vshrl.u32 v0, $0x1;
	v0 =	vor.u32 s19, v1;
	s19 =	simm.s32 $0x8380;
	s5 =	sadd.s32 $0x10A00, s6;
	s6 =	sadd.s32 $0x11A00, s6  }
0xd: {  	s7 =	sadd.s32 $0x800, s4;
	s8 =	sadd.s32 $0x1000, s4;
	s9 =	sadd.s32 $0x1800, s4  }
0xe: {  	v1 =	vmul.u32 $0x80, v2;
	s10 =	sadd.s32 $0x2000, s4;
	s11 =	sadd.s32 $0x2800, s4;
	s12 =	sadd.s32 $0x3000, s4  }
0xf: {  	s13 =	sadd.s32 $0x3800, s4;
	s14 =	smax.u32 s0, $0x1;
	s0 =	simm.s32 $0x8300  }
.LBB2_1:
0x10: {  	v2 =	vmov s2  }
0x11: {  	v2 =	vshll.u32 v2, $0x7  }
0x12: {  	v2 =	vor.u32 v1, v2  }
0x13: {  	[tilespmem:s2], [sflag:$0x7] =	stream.linear.gather [hbm4b:s5+s2], $0x8000, $0x38;
	v3 =	vor.u32 $0x1, v2;
	[tilespmem:$0x14400] =	vst v63  }
0x14: {  	_ =	swait.ge [sflag:s15], $0x8000  }
0x15: {  	[sflag:s15] =	ssyncset.done $0x0  }
0x16: {  	[sflag:s15] =	ssyncadd.s32 $0xFFFF8000  }
0x17: {  	v2 =	vld.idx.msk [tilespmem:v2+s2+$0x0], $0xffff  }
0x18: {  	v3 =	vld.idx.msk [tilespmem:v3+s2+$0x0], $0xffff;
	_ =	sdelay $0x4  }
0x19: {  	v2 =	vmul.f32 $3.100000000e+01, v2;
	v3 =	vmul.f32 $3.100000000e+01, v3;
	_ =	sdelay $0x1  }
0x1a: {  	v2 =	vadd.f32 $8.388608000e+06, v2;
	v3 =	vadd.f32 $8.388608000e+06, v3  }
0x1b: {  	s26 =	simm.s32 $0x8  }
0x1c: {  	v4 =	vmov s26;
	v2 =	vadd.f32 $-8.388608000e+06, v2;
	v3 =	vadd.f32 $-8.388608000e+06, v3  }
0x1d: {  	v4 =	vshll.u32 v4, $0x7  }
0x1e: {  	v4 =	vor.u32 v1, v4;
	v2 =	vtrunc.f32 v2;
	v3 =	vtrunc.f32 v3  }
0x1f: {  	v5 =	vor.u32 $0x1, v4;
	v2 =	vcvt.f32.s32 v2;
	v3 =	vcvt.f32.s32 v3;
	_ =	sdelay $0x1  }
0x20: {  	v2 =	vadd.s32 v2, v0;
	v3 =	vshll.u32 v3, $0x5  }
0x21: {  	v2 =	vadd.s32 v3, v2  }
0x22: {  	[tilespmem:s17+$0x0] =	vst v2  }
0x23: {  	v2 =	vld.idx.msk [tilespmem:v5+s2+$0x0], $0xffff  }
0x24: {  	v3 =	vld.idx.msk [tilespmem:v4+s2+$0x0], $0xffff;
	_ =	sdelay $0x4  }
0x25: {  	v3 =	vmul.f32 $3.100000000e+01, v3;
	v2 =	vmul.f32 $3.100000000e+01, v2;
	_ =	sdelay $0x1  }
0x26: {  	v3 =	vadd.f32 $8.388608000e+06, v3;
	v4 =	vadd.f32 $8.388608000e+06, v2  }
0x27: {  	s1 =	simm.s32 $0x10  }
0x28: {  	v5 =	vmov s1;
	v2 =	vadd.f32 $-8.388608000e+06, v3;
	v3 =	vadd.f32 $-8.388608000e+06, v4  }
0x29: {  	s30 =	simm.s32 $0x18;
	s26 =	simm.s32 $0x8000;
	v4 =	vshll.u32 v5, $0x7  }
.LBB2_2:
0x2a: {  	p0 =	sne.s32 s30, $0xF8;
	v4 =	vor.u32 v1, v4;
	v2 =	vtrunc.f32 v2;
	v3 =	vtrunc.f32 v3  }
0x2b: {  	v5 =	vor.u32 $0x1, v4;
	v2 =	vcvt.f32.s32 v2;
	v3 =	vcvt.f32.s32 v3;
	_ =	sdelay $0x1  }
0x2c: {  	v3 =	vshll.u32 v3, $0x5;
	v2 =	vadd.s32 v2, v0  }
0x2d: {  	s26 =	sadd.s32 $0x10, s26;
	v2 =	vadd.s32 v3, v2  }
0x2e: {  	[tilespmem:s26+$0x0] =	vst v2  }
0x2f: {  	v2 =	vld.idx.msk [tilespmem:v5+s2+$0x0], $0xffff  }
0x30: {  	v3 =	vld.idx.msk [tilespmem:v4+s2+$0x0], $0xffff;
	_ =	sdelay $0x5  }
0x31: {  	v2 =	vmul.f32 $3.100000000e+01, v2;
	v3 =	vmul.f32 $3.100000000e+01, v3  }
.Ltmp0:
0x32: {  	(pc) =	sbr.rel @p0 .LBB2_2-.Ltmp0, $3  }
0x33: {  	v4 =	vadd.f32 $8.388608000e+06, v2;
	v3 =	vadd.f32 $8.388608000e+06, v3;
	_ =	sdelay $0x1  }
0x34: {  	v5 =	vmov s30;
	v2 =	vadd.f32 $-8.388608000e+06, v3;
	v3 =	vadd.f32 $-8.388608000e+06, v4  }
0x35: {  	s30 =	sadd.s32 $0x8, s30;
	v4 =	vshll.u32 v5, $0x7  }
0x36: {  	v4 =	vor.u32 v1, v4;
	v2 =	vtrunc.f32 v2;
	v3 =	vtrunc.f32 v3  }
0x37: {  	v5 =	vor.u32 $0x1, v4;
	v2 =	vcvt.f32.s32 v2;
	v3 =	vcvt.f32.s32 v3;
	_ =	sdelay $0x1  }
0x38: {  	v3 =	vshll.u32 v3, $0x5;
	v2 =	vadd.s32 v2, v0  }
0x39: {  	s30 =	sadd.s32 $0x10, s26;
	v2 =	vadd.s32 v3, v2  }
0x3a: {  	[tilespmem:s30+$0x0] =	vst v2  }
0x3b: {  	v2 =	vld.idx.msk [tilespmem:v5+s2+$0x0], $0xffff  }
0x3c: {  	v3 =	vld.idx.msk [tilespmem:v4+s2+$0x0], $0xffff;
	_ =	sdelay $0x4  }
0x3d: {  	v3 =	vmul.f32 $3.100000000e+01, v3;
	v2 =	vmul.f32 $3.100000000e+01, v2;
	_ =	sdelay $0x1  }
0x3e: {  	v3 =	vadd.f32 $8.388608000e+06, v3;
	v2 =	vadd.f32 $8.388608000e+06, v2;
	_ =	sdelay $0x1  }
0x3f: {  	v3 =	vadd.f32 $-8.388608000e+06, v3;
	v2 =	vadd.f32 $-8.388608000e+06, v2;
	_ =	sdelay $0x1  }
0x40: {  	v3 =	vtrunc.f32 v3;
	v2 =	vtrunc.f32 v2  }
0x41: {  	s26 =	simm.s32 $0x0;
	v3 =	vcvt.f32.s32 v3;
	v2 =	vcvt.f32.s32 v2  }
0x42: {  	v4 =	vmov s26  }
0x43: {  	v4 =	vshll.u32 v4, $0x7;
	v2 =	vshll.u32 v2, $0x5;
	v3 =	vadd.s32 v3, v0  }
0x44: {  	s30 =	sadd.s32 $0x10, s30;
	v2 =	vadd.s32 v2, v3;
	v3 =	vor.u32 v1, v4  }
0x45: {  	[tilespmem:s30+$0x0] =	vst v2;
	v2 =	vor.u32 $0x1, v3  }
0x46: {  	[tilespmem:s26], [sflag:$0x7] =	stream.linear.gather [hbm4b:s6+s26], $0x8000, $0x38;
	[tilespmem:$0x14400] =	vst v63  }
0x47: {  	_ =	swait.ge [sflag:s15], $0x8000  }
0x48: {  	[sflag:s15] =	ssyncset.done $0x0  }
0x49: {  	[sflag:s15] =	ssyncadd.s32 $0xFFFF8000  }
0x4a: {  	v2 =	vld.idx.msk [tilespmem:v2+s2+$0x0], $0xffff  }
0x4b: {  	v3 =	vld.idx.msk [tilespmem:v3+s2+$0x0], $0xffff;
	_ =	sdelay $0x4  }
0x4c: {  	v3 =	vmul.f32 $3.100000000e+01, v3;
	v2 =	vmul.f32 $3.100000000e+01, v2;
	_ =	sdelay $0x1  }
0x4d: {  	v3 =	vadd.f32 $8.388608000e+06, v3;
	v2 =	vadd.f32 $8.388608000e+06, v2  }
0x4e: {  	s30 =	simm.s32 $0x8  }
0x4f: {  	v4 =	vmov s30;
	v3 =	vadd.f32 $-8.388608000e+06, v3;
	v2 =	vadd.f32 $-8.388608000e+06, v2  }
0x50: {  	v4 =	vshll.u32 v4, $0x7  }
0x51: {  	v4 =	vor.u32 v1, v4;
	v3 =	vtrunc.f32 v3;
	v2 =	vtrunc.f32 v2  }
0x52: {  	v5 =	vor.u32 $0x1, v4;
	v3 =	vcvt.f32.s32 v3;
	v2 =	vcvt.f32.s32 v2;
	_ =	sdelay $0x1  }
0x53: {  	v2 =	vshll.u32 v2, $0x5;
	v3 =	vadd.s32 v3, v0  }
0x54: {  	s30 =	sand.u32 $0x1F0, s26;
	v2 =	vadd.s32 v2, v3  }
0x55: {  	[tilespmem:s30+$0x8200] =	vst v2  }
0x56: {  	v2 =	vld.idx.msk [tilespmem:v5+s2+$0x0], $0xffff  }
0x57: {  	v3 =	vld.idx.msk [tilespmem:v4+s2+$0x0], $0xffff;
	_ =	sdelay $0x4  }
0x58: {  	v3 =	vmul.f32 $3.100000000e+01, v3;
	v2 =	vmul.f32 $3.100000000e+01, v2;
	_ =	sdelay $0x1  }
0x59: {  	v3 =	vadd.f32 $8.388608000e+06, v3;
	v4 =	vadd.f32 $8.388608000e+06, v2  }
0x5a: {  	s30 =	simm.s32 $0x10  }
0x5b: {  	v5 =	vmov s30;
	v2 =	vadd.f32 $-8.388608000e+06, v3;
	v3 =	vadd.f32 $-8.388608000e+06, v4  }
0x5c: {  	s30 =	simm.s32 $0x18;
	v4 =	vshll.u32 v5, $0x7  }
.LBB2_4:
0x5d: {  	p0 =	sne.s32 s30, $0xF8;
	v4 =	vor.u32 v1, v4;
	v2 =	vtrunc.f32 v2;
	v3 =	vtrunc.f32 v3  }
0x5e: {  	v5 =	vor.u32 $0x1, v4;
	v2 =	vcvt.f32.s32 v2;
	v3 =	vcvt.f32.s32 v3;
	_ =	sdelay $0x1  }
0x5f: {  	s26 =	sadd.s32 $0x10, s26;
	v3 =	vshll.u32 v3, $0x5;
	v2 =	vadd.s32 v2, v0  }
0x60: {  	s1 =	sand.u32 $0x1F0, s26;
	v2 =	vadd.s32 v3, v2  }
0x61: {  	[tilespmem:s1+$0x8200] =	vst v2  }
0x62: {  	v2 =	vld.idx.msk [tilespmem:v5+s2+$0x0], $0xffff  }
0x63: {  	v3 =	vld.idx.msk [tilespmem:v4+s2+$0x0], $0xffff;
	_ =	sdelay $0x5  }
0x64: {  	v2 =	vmul.f32 $3.100000000e+01, v2;
	v3 =	vmul.f32 $3.100000000e+01, v3  }
.Ltmp1:
0x65: {  	(pc) =	sbr.rel @p0 .LBB2_4-.Ltmp1, $3  }
0x66: {  	v4 =	vadd.f32 $8.388608000e+06, v2;
	v3 =	vadd.f32 $8.388608000e+06, v3;
	_ =	sdelay $0x1  }
0x67: {  	v5 =	vmov s30;
	v2 =	vadd.f32 $-8.388608000e+06, v3;
	v3 =	vadd.f32 $-8.388608000e+06, v4  }
0x68: {  	s30 =	sadd.s32 $0x8, s30;
	v4 =	vshll.u32 v5, $0x7  }
0x69: {  	v4 =	vor.u32 v1, v4;
	v2 =	vtrunc.f32 v2;
	v3 =	vtrunc.f32 v3  }
0x6a: {  	v5 =	vor.u32 $0x1, v4;
	v2 =	vcvt.f32.s32 v2;
	v3 =	vcvt.f32.s32 v3;
	_ =	sdelay $0x1  }
0x6b: {  	s1 =	sadd.s32 $0x10, s26;
	v3 =	vshll.u32 v3, $0x5;
	v2 =	vadd.s32 v2, v0  }
0x6c: {  	s26 =	sand.u32 $0x1F0, s1;
	v2 =	vadd.s32 v3, v2  }
0x6d: {  	[tilespmem:s26+$0x8200] =	vst v2  }
0x6e: {  	v2 =	vld.idx.msk [tilespmem:v5+s2+$0x0], $0xffff  }
0x6f: {  	v3 =	vld.idx.msk [tilespmem:v4+s2+$0x0], $0xffff;
	_ =	sdelay $0x4  }
0x70: {  	v3 =	vmul.f32 $3.100000000e+01, v3;
	v2 =	vmul.f32 $3.100000000e+01, v2;
	_ =	sdelay $0x1  }
0x71: {  	v3 =	vadd.f32 $8.388608000e+06, v3;
	v2 =	vadd.f32 $8.388608000e+06, v2;
	_ =	sdelay $0x1  }
0x72: {  	v3 =	vadd.f32 $-8.388608000e+06, v3;
	v2 =	vadd.f32 $-8.388608000e+06, v2;
	_ =	sdelay $0x1  }
0x73: {  	v3 =	vtrunc.f32 v3;
	v2 =	vtrunc.f32 v2  }
0x74: {  	v3 =	vcvt.f32.s32 v3;
	v2 =	vcvt.f32.s32 v2;
	_ =	sdelay $0x1  }
0x75: {  	s1 =	sadd.s32 $0x10, s1;
	v2 =	vshll.u32 v2, $0x5;
	v3 =	vadd.s32 v3, v0  }
0x76: {  	s1 =	sand.u32 $0x1F0, s1;
	v2 =	vadd.s32 v2, v3  }
0x77: {  	[tilespmem:s1+$0x8200] =	vst v2  }
0x78: {  	[tilespmem:s18], [sflag:$0x1] =	stream.indirect.gather [hbm4b:s3+s16], $0x80, s17, s16, $0xb8;
	[tilespmem:$0x14400] =	vst v63  }
0x79: {  	s30 =	simm.s32 $0x8080  }
0x7a: {  	[tilespmem:s20], [sflag:$0x2] =	stream.indirect.gather [hbm4b:s3+s16], $0x80, s30, s16, $0xb8;
	[tilespmem:$0x14400] =	vst v63  }
0x7b: {  	_ =	swait.ge [sflag:s21], $0x4000  }
0x7c: {  	[sflag:s21] =	ssyncset.done $0x0  }
0x7d: {  	[sflag:s21] =	ssyncadd.s32 $0xFFFFC000  }
0x7e: {  	[hbm4b:s4+s2] =	stream.linear.scatter [tilespmem:s18], [sflag:$0x4], $0x4000, $0x38;
	[tilespmem:$0x14400] =	vst v63  }
0x7f: {  	s26 =	simm.s32 $0x8100  }
0x80: {  	[tilespmem:s23], [sflag:$0x3] =	stream.indirect.gather [hbm4b:s3+s16], $0x80, s26, s16, $0xb8;
	[tilespmem:$0x14400] =	vst v63  }
0x81: {  	_ =	swait.ge [sflag:s24], $0x4000  }
0x82: {  	[sflag:s24] =	ssyncset.done $0x0  }
0x83: {  	[sflag:s24] =	ssyncadd.s32 $0xFFFFC000  }
0x84: {  	[hbm4b:s7+s2] =	stream.linear.scatter [tilespmem:s20], [sflag:$0x5], $0x4000, $0x38;
	[tilespmem:$0x14400] =	vst v63  }
0x85: {  	_ =	swait.ge [sflag:s25], $0x4000  }
0x86: {  	[sflag:s25] =	ssyncset.done $0x0  }
0x87: {  	s30 =	simm.s32 $0x8180;
	[sflag:s25] =	ssyncadd.s32 $0xFFFFC000  }
0x88: {  	[tilespmem:s18], [sflag:$0x1] =	stream.indirect.gather [hbm4b:s3+s16], $0x80, s30, s16, $0xb8;
	[tilespmem:$0x14400] =	vst v63  }
0x89: {  	_ =	swait.ge [sflag:s28], $0x4000  }
0x8a: {  	[sflag:s28] =	ssyncset.done $0x0  }
0x8b: {  	[sflag:s28] =	ssyncadd.s32 $0xFFFFC000  }
0x8c: {  	[hbm4b:s8+s2] =	stream.linear.scatter [tilespmem:s23], [sflag:$0x6], $0x4000, $0x38;
	[tilespmem:$0x14400] =	vst v63  }
0x8d: {  	_ =	swait.ge [sflag:s29], $0x4000  }
0x8e: {  	[sflag:s29] =	ssyncset.done $0x0  }
0x8f: {  	s26 =	simm.s32 $0x8200;
	[sflag:s29] =	ssyncadd.s32 $0xFFFFC000  }
0x90: {  	[tilespmem:s20], [sflag:$0x2] =	stream.indirect.gather [hbm4b:s3+s16], $0x80, s26, s16, $0xb8;
	[tilespmem:$0x14400] =	vst v63  }
0x91: {  	_ =	swait.ge [sflag:s21], $0x4000  }
0x92: {  	[sflag:s21] =	ssyncset.done $0x0  }
0x93: {  	[sflag:s21] =	ssyncadd.s32 $0xFFFFC000  }
0x94: {  	[hbm4b:s9+s2] =	stream.linear.scatter [tilespmem:s18], [sflag:$0x4], $0x4000, $0x38;
	[tilespmem:$0x14400] =	vst v63  }
0x95: {  	_ =	swait.ge [sflag:s31], $0x4000  }
0x96: {  	[sflag:s31] =	ssyncset.done $0x0  }
0x97: {  	s30 =	simm.s32 $0x8280;
	[sflag:s31] =	ssyncadd.s32 $0xFFFFC000  }
0x98: {  	[tilespmem:s23], [sflag:$0x3] =	stream.indirect.gather [hbm4b:s3+s16], $0x80, s30, s16, $0xb8;
	[tilespmem:$0x14400] =	vst v63  }
0x99: {  	_ =	swait.ge [sflag:s24], $0x4000  }
0x9a: {  	[sflag:s24] =	ssyncset.done $0x0  }
0x9b: {  	[sflag:s24] =	ssyncadd.s32 $0xFFFFC000  }
0x9c: {  	[hbm4b:s10+s2] =	stream.linear.scatter [tilespmem:s20], [sflag:$0x5], $0x4000, $0x38;
	[tilespmem:$0x14400] =	vst v63  }
0x9d: {  	_ =	swait.ge [sflag:s25], $0x4000  }
0x9e: {  	[sflag:s25] =	ssyncset.done $0x0  }
0x9f: {  	[sflag:s25] =	ssyncadd.s32 $0xFFFFC000  }
0xa0: {  	[tilespmem:s18], [sflag:$0x1] =	stream.indirect.gather [hbm4b:s3+s16], $0x80, s0, s16, $0xb8;
	[tilespmem:$0x14400] =	vst v63  }
0xa1: {  	_ =	swait.ge [sflag:s28], $0x4000  }
0xa2: {  	[sflag:s28] =	ssyncset.done $0x0  }
0xa3: {  	[sflag:s28] =	ssyncadd.s32 $0xFFFFC000  }
0xa4: {  	[hbm4b:s11+s2] =	stream.linear.scatter [tilespmem:s23], [sflag:$0x6], $0x4000, $0x38;
	[tilespmem:$0x14400] =	vst v63  }
0xa5: {  	_ =	swait.ge [sflag:s29], $0x4000  }
0xa6: {  	[sflag:s29] =	ssyncset.done $0x0  }
0xa7: {  	[sflag:s29] =	ssyncadd.s32 $0xFFFFC000  }
0xa8: {  	[tilespmem:s20], [sflag:$0x2] =	stream.indirect.gather [hbm4b:s3+s16], $0x80, s19, s16, $0xb8;
	[tilespmem:$0x14400] =	vst v63  }
0xa9: {  	_ =	swait.ge [sflag:s21], $0x4000  }
0xaa: {  	[sflag:s21] =	ssyncset.done $0x0  }
0xab: {  	[sflag:s21] =	ssyncadd.s32 $0xFFFFC000  }
0xac: {  	[hbm4b:s12+s2] =	stream.linear.scatter [tilespmem:s18], [sflag:$0x4], $0x4000, $0x38;
	[tilespmem:$0x14400] =	vst v63  }
0xad: {  	_ =	swait.ge [sflag:s24], $0x4000  }
0xae: {  	[sflag:s24] =	ssyncset.done $0x0  }
0xaf: {  	[sflag:s24] =	ssyncadd.s32 $0xFFFFC000  }
0xb0: {  	[hbm4b:s13+s2] =	stream.linear.scatter [tilespmem:s20], [sflag:$0x5], $0x4000, $0x38;
	[tilespmem:$0x14400] =	vst v63  }
0xb1: {  	_ =	swait.ge [sflag:s25], $0x4000  }
0xb2: {  	[sflag:s25] =	ssyncset.done $0x0  }
0xb3: {  	s22 =	sadd.s32 $0x1, s22;
	[sflag:s25] =	ssyncadd.s32 $0xFFFFC000  }
0xb4: {  	p0 =	sne.s32 s22, s14;
	_ =	swait.ge [sflag:s29], $0x4000  }
.Ltmp2:
0xb5: {  	[sflag:s29] =	ssyncset.done $0x0;
	(pc) =	sbr.rel @p0 .LBB2_1-.Ltmp2, $4  }
0xb6: {  	[sflag:s29] =	ssyncadd.s32 $0xFFFFC000  }
0xb7: {  	_ =	swait.ge [sflag:s31], $0x4000  }
0xb8: {  	[sflag:s31] =	ssyncset.done $0x0  }
0xb9: {  	[sflag:s31] =	ssyncadd.s32 $0xFFFFC000  }
0xba: {  	_ =	sfence.sel $0x180000  }
0xbb: {  	[bflag:$0x0] =	sbarrier.arrive $0xFFFF  }
0xbc: {  	_ =	strace $0x9000004A  }
0xbd: {  	s0 =	stileid.u32;
	[bflag:$0x2] =	sbarrier.arrive $0xFFFF  }
0xbe: {  	p0 =	sne.s32 s0, $0x0;
	s0 =	rddreg [dreg:$0x2]  }
0xbf: {  	s0 =	sadd.s32 @!p0 $0x100000, s0  }
0xc0: {  	[sflag:s0] =	ssyncadd.tile.s32 @!p0 $0x1;
	_ =	shalt  }
.Lfunc_end2:
_tile_overlayer_lowered:
.L_overlay_start_2:
0xc1: {  	(tag) =	ssettag $0x2  }
0xc2: {  	s0 =	rddreg [dreg:$0x0];
	s2 =	stileid.u32  }
0xc3: {  	s1 =	rddreg [dreg:$0x1];
	p0 =	sne.s32 s2, $0x0  }
0xc4: {  	s3 =	rddreg [dreg:$0x2];
	[bflag:$0x3] =	sbarrier.arrive $0xFFFF;
	s2 =	simm.s32 @!p0 $0x1C07  }
0xc5: {  	[timem:s3], [sflag:s2] =	dma.local @!p0 [hbm:s0], s1  }
0xc6: {  	s0 =	simm.s32 @!p0 $0x7  }
0xc7: {  	_ =	swait.ge @!p0 [sflag:s0], s1  }
0xc8: {  	s1 =	ssub.s32 @!p0 $0x0, s1;
	[sflag:s0] =	ssyncset.done @!p0 $0x0  }
0xc9: {  	[sflag:s0] =	ssyncadd.s32 @!p0 s1  }
0xca: {  	[bflag:$0x3] =	sbarrier.arrive $0xFFFF  }
0xcb: {  	_ =	shalt  }

</sc_bundles>
